<compile_context>
chip_gen: v7x
topology: tpu7x:2x2x1
jax: 0.10.2.dev20260603
libtpu: 0.0.44.dev20260713+nightly
codegen_flags: <defaults>
</compile_context>

<pallas_src>
import functools

import jax
import jax.numpy as jnp
from jax import lax
from jax.experimental import pallas as pl
from jax.experimental.pallas import tpu as pltpu
from jax.experimental.pallas import tpu_sc as plsc

EMB_DIM = 2048
NUM_WORKERS = 32
CHUNK = 8
NBUF = 7


@jax.jit
def _sc_gather(pos_embedding, idx_flat):
    n_idx = idx_flat.shape[0]
    idx_per_worker = n_idx // NUM_WORKERS
    n_chunks = idx_per_worker // CHUNK
    full_rounds = n_chunks // NBUF
    tail = n_chunks % NBUF

    mesh = plsc.VectorSubcoreMesh(core_axis_name="c", subcore_axis_name="s")

    @functools.partial(
        pl.kernel,
        mesh=mesh,
        out_type=jax.ShapeDtypeStruct((n_idx, EMB_DIM), jnp.float32),
        scratch_types=[
            pltpu.VMEM((idx_per_worker,), jnp.int32),
        ]
        + [pltpu.VMEM((CHUNK, EMB_DIM), jnp.float32) for _ in range(NBUF)]
        + [pltpu.SemaphoreType.DMA for _ in range(2 * NBUF)],
    )
    def body(table_hbm, idx_hbm, out_hbm, idx_v, *rest):
        bufs = rest[:NBUF]
        gsems = rest[NBUF : 2 * NBUF]
        wsems = rest[2 * NBUF :]

        wid = lax.axis_index("s") * 2 + lax.axis_index("c")
        base = wid * idx_per_worker
        pltpu.sync_copy(idx_hbm.at[pl.ds(base, idx_per_worker)], idx_v)

        def start_gather(c, b):
            pltpu.async_copy(
                table_hbm.at[idx_v.at[pl.ds(c * CHUNK, CHUNK)]], bufs[b], gsems[b]
            )

        def wait_gather(b):
            pltpu.make_async_copy(
                table_hbm.at[idx_v.at[pl.ds(0, CHUNK)]], bufs[b], gsems[b]
            ).wait()

        def start_write(c, b):
            pltpu.async_copy(
                bufs[b], out_hbm.at[pl.ds(base + c * CHUNK, CHUNK)], wsems[b]
            )

        def wait_write(b):
            pltpu.make_async_copy(
                bufs[b], out_hbm.at[pl.ds(base, CHUNK)], wsems[b]
            ).wait()

        for b in range(NBUF):
            start_gather(b, b)

        def step(p, carry):
            c0 = p * NBUF
            for b in range(NBUF):
                wait_gather(b)
                start_write(c0 + b, b)
            for b in range(NBUF):
                wait_write(b)
                start_gather(c0 + NBUF + b, b)
            return carry

        lax.fori_loop(0, full_rounds - 1, step, 0)

        c0 = (full_rounds - 1) * NBUF
        for b in range(NBUF):
            wait_gather(b)
            start_write(c0 + b, b)
        for b in range(tail):
            wait_write(b)
            start_gather(full_rounds * NBUF + b, b)
        for b in range(tail):
            wait_gather(b)
            start_write(full_rounds * NBUF + b, b)
        for b in range(NBUF):
            wait_write(b)

    return body(pos_embedding, idx_flat)


def kernel(x, pos_embedding):
    b, s = x.shape
    out = _sc_gather(pos_embedding, x.reshape(b * s).astype(jnp.int32))
    return out.reshape(b, s, EMB_DIM)

# --- scband reference (transcript-rebuilt; emitter-appended) ---
"""Pipeline reference for scband-positional-encoding-23776938950903 (READ-ONLY COPY).

The authoritative reference and input builder live on the scoring server;
editing this copy changes nothing except your own understanding.
"""

import jax, jax.numpy as jnp
import numpy as np
import math

N_STEPS = 8192
DIM = 2048

def _build_pos_embedding(n_steps, dim):
    pos_embedding = np.zeros((n_steps, dim), dtype=np.float32)
    position = np.arange(0, n_steps, dtype=np.float32)[:, None]
    div_term = np.exp(-np.arange(0, dim, 2, dtype=np.float32) * (math.log(10000.0) / dim))
    pos_embedding[:, 0::2] = np.sin(position * div_term)
    pos_embedding[:, 1::2] = np.cos(position * div_term)
    return jnp.asarray(pos_embedding)

def setup_inputs(seed: int = 0) -> dict:
    key = jax.random.key(seed)
    k1, _ = jax.random.split(key)
    x = jax.random.randint(k1, (4, 8192), 0, N_STEPS, dtype=jnp.int64 if jax.config.jax_enable_x64 else jnp.int32)
    pos_embedding = _build_pos_embedding(N_STEPS, DIM)
    return {"x": x, "pos_embedding": pos_embedding}

def reference(x, pos_embedding):
    # Faithful translation of PositionalEncoding.forward: self.pos_embedding[x]
    return jnp.take(pos_embedding, x, axis=0)

if __name__ == "__main__":
    import jax
    _d = setup_inputs()
    print(jax.jit(kernel)(*tuple(_d.values())))

</pallas_src>

<mosaic_0001>
#map = affine_map<(d0, d1) -> (0, 0)>
#map1 = affine_map<(d0, d1) -> (0)>
module attributes {stable_mosaic.version = 14 : i64} {
  func.func @body(%arg0: i32, %arg1: i32, %arg2: memref<8192x2048xf32, #tpu.memory_space<hbm>>, %arg3: memref<32768xi32, #tpu.memory_space<hbm>>, %arg4: memref<32768x2048xf32, #tpu.memory_space<hbm>>, %arg5: memref<1024xi32, #tpu.memory_space<vmem>>, %arg6: memref<8x2048xf32, #tpu.memory_space<vmem>>, %arg7: memref<8x2048xf32, #tpu.memory_space<vmem>>, %arg8: memref<8x2048xf32, #tpu.memory_space<vmem>>, %arg9: memref<8x2048xf32, #tpu.memory_space<vmem>>, %arg10: memref<8x2048xf32, #tpu.memory_space<vmem>>, %arg11: memref<8x2048xf32, #tpu.memory_space<vmem>>, %arg12: memref<8x2048xf32, #tpu.memory_space<vmem>>, %arg13: memref<!tpu.dma_semaphore, #tpu.memory_space<semaphore_mem>>, %arg14: memref<!tpu.dma_semaphore, #tpu.memory_space<semaphore_mem>>, %arg15: memref<!tpu.dma_semaphore, #tpu.memory_space<semaphore_mem>>, %arg16: memref<!tpu.dma_semaphore, #tpu.memory_space<semaphore_mem>>, %arg17: memref<!tpu.dma_semaphore, #tpu.memory_space<semaphore_mem>>, %arg18: memref<!tpu.dma_semaphore, #tpu.memory_space<semaphore_mem>>, %arg19: memref<!tpu.dma_semaphore, #tpu.memory_space<semaphore_mem>>, %arg20: memref<!tpu.dma_semaphore, #tpu.memory_space<semaphore_mem>>, %arg21: memref<!tpu.dma_semaphore, #tpu.memory_space<semaphore_mem>>, %arg22: memref<!tpu.dma_semaphore, #tpu.memory_space<semaphore_mem>>, %arg23: memref<!tpu.dma_semaphore, #tpu.memory_space<semaphore_mem>>, %arg24: memref<!tpu.dma_semaphore, #tpu.memory_space<semaphore_mem>>, %arg25: memref<!tpu.dma_semaphore, #tpu.memory_space<semaphore_mem>>, %arg26: memref<!tpu.dma_semaphore, #tpu.memory_space<semaphore_mem>>) attributes {dimension_semantics = [#tpu.dimension_semantics<core_parallel>, #tpu.dimension_semantics<subcore_parallel>], iteration_bounds = array<i64: 2, 16>, scalar_prefetch = 0 : i64, scratch_operands = 22 : i64, tpu.core_type = #tpu.core_type<sc_vector_subcore>, window_params = [{transform_indices = #map}, {transform_indices = #map1}, {transform_indices = #map}]} {
    %mul3A = arith.constant 2 : i32
    %mul3A_0 = arith.muli %arg1, %mul3A : i32
    %add3A = arith.addi %mul3A_0, %arg0 : i32
    %mul3A_1 = arith.constant 1024 : i32
    %mul3A_2 = arith.muli %add3A, %mul3A_1 : i32
    "tpu.region"() ({
      %run_scoped3A = tpu.sem_alloc : memref<!tpu.dma_semaphore, #tpu.memory_space<semaphore_mem>>
      %dma_start3A_186 = tpu.memref_slice %arg3[%mul3A_2] : memref<32768xi32, #tpu.memory_space<hbm>> -> memref<1024xi32, #tpu.memory_space<hbm>>
      %dma_start3A_187 = tpu.memref_slice %arg3[%mul3A_2] : memref<32768xi32, #tpu.memory_space<hbm>> -> memref<1024xi32, #tpu.memory_space<hbm>>
      tpu.enqueue_dma source(%dma_start3A_187 : memref<1024xi32, #tpu.memory_space<hbm>>) target(%arg5 : memref<1024xi32, #tpu.memory_space<vmem>>) target_semaphore(%run_scoped3A : memref<!tpu.dma_semaphore, #tpu.memory_space<semaphore_mem>>)
      %dma_wait3A_188 = tpu.memref_slice %arg3[%mul3A_2] : memref<32768xi32, #tpu.memory_space<hbm>> -> memref<1024xi32, #tpu.memory_space<hbm>>
      %dma_wait3A_189 = tpu.memref_slice %arg3[%mul3A_2] : memref<32768xi32, #tpu.memory_space<hbm>> -> memref<1024xi32, #tpu.memory_space<hbm>>
      tpu.wait_dma2 semaphore(%run_scoped3A : memref<!tpu.dma_semaphore, #tpu.memory_space<semaphore_mem>>) src(%dma_wait3A_189 : memref<1024xi32, #tpu.memory_space<hbm>>) dst(%arg5 : memref<1024xi32, #tpu.memory_space<vmem>>)
      tpu.yield
    }) : () -> ()
    %dma_start3A = arith.constant 0 : i32
    %dma_start3A_3 = tpu.memref_slice %arg5[%dma_start3A] : memref<1024xi32, #tpu.memory_space<vmem>> -> memref<8xi32, #tpu.memory_space<vmem>>
    %dma_start3A_4 = arith.constant 0 : i32
    %dma_start3A_5 = arith.constant 0 : i32
    %dma_start3A_6 = tpu.memref_slice %arg2[%dma_start3A_4, %dma_start3A_5] : memref<8192x2048xf32, #tpu.memory_space<hbm>> -> memref<8192x2048xf32, #tpu.memory_space<hbm>>
    tpu.enqueue_indirect_dma source(%dma_start3A_6 : memref<8192x2048xf32, #tpu.memory_space<hbm>>) target(%arg6 : memref<8x2048xf32, #tpu.memory_space<vmem>>) offsets(%dma_start3A_3 : memref<8xi32, #tpu.memory_space<vmem>>) semaphore(%arg13 : memref<!tpu.dma_semaphore, #tpu.memory_space<semaphore_mem>>)
    %dma_start3A_7 = arith.constant 8 : i32
    %dma_start3A_8 = tpu.memref_slice %arg5[%dma_start3A_7] : memref<1024xi32, #tpu.memory_space<vmem>> -> memref<8xi32, #tpu.memory_space<vmem>>
    %dma_start3A_9 = arith.constant 0 : i32
    %dma_start3A_10 = arith.constant 0 : i32
    %dma_start3A_11 = tpu.memref_slice %arg2[%dma_start3A_9, %dma_start3A_10] : memref<8192x2048xf32, #tpu.memory_space<hbm>> -> memref<8192x2048xf32, #tpu.memory_space<hbm>>
    tpu.enqueue_indirect_dma source(%dma_start3A_11 : memref<8192x2048xf32, #tpu.memory_space<hbm>>) target(%arg7 : memref<8x2048xf32, #tpu.memory_space<vmem>>) offsets(%dma_start3A_8 : memref<8xi32, #tpu.memory_space<vmem>>) semaphore(%arg14 : memref<!tpu.dma_semaphore, #tpu.memory_space<semaphore_mem>>)
    %dma_start3A_12 = arith.constant 16 : i32
    %dma_start3A_13 = tpu.memref_slice %arg5[%dma_start3A_12] : memref<1024xi32, #tpu.memory_space<vmem>> -> memref<8xi32, #tpu.memory_space<vmem>>
    %dma_start3A_14 = arith.constant 0 : i32
    %dma_start3A_15 = arith.constant 0 : i32
    %dma_start3A_16 = tpu.memref_slice %arg2[%dma_start3A_14, %dma_start3A_15] : memref<8192x2048xf32, #tpu.memory_space<hbm>> -> memref<8192x2048xf32, #tpu.memory_space<hbm>>
    tpu.enqueue_indirect_dma source(%dma_start3A_16 : memref<8192x2048xf32, #tpu.memory_space<hbm>>) target(%arg8 : memref<8x2048xf32, #tpu.memory_space<vmem>>) offsets(%dma_start3A_13 : memref<8xi32, #tpu.memory_space<vmem>>) semaphore(%arg15 : memref<!tpu.dma_semaphore, #tpu.memory_space<semaphore_mem>>)
    %dma_start3A_17 = arith.constant 24 : i32
    %dma_start3A_18 = tpu.memref_slice %arg5[%dma_start3A_17] : memref<1024xi32, #tpu.memory_space<vmem>> -> memref<8xi32, #tpu.memory_space<vmem>>
    %dma_start3A_19 = arith.constant 0 : i32
    %dma_start3A_20 = arith.constant 0 : i32
    %dma_start3A_21 = tpu.memref_slice %arg2[%dma_start3A_19, %dma_start3A_20] : memref<8192x2048xf32, #tpu.memory_space<hbm>> -> memref<8192x2048xf32, #tpu.memory_space<hbm>>
    tpu.enqueue_indirect_dma source(%dma_start3A_21 : memref<8192x2048xf32, #tpu.memory_space<hbm>>) target(%arg9 : memref<8x2048xf32, #tpu.memory_space<vmem>>) offsets(%dma_start3A_18 : memref<8xi32, #tpu.memory_space<vmem>>) semaphore(%arg16 : memref<!tpu.dma_semaphore, #tpu.memory_space<semaphore_mem>>)
    %dma_start3A_22 = arith.constant 32 : i32
    %dma_start3A_23 = tpu.memref_slice %arg5[%dma_start3A_22] : memref<1024xi32, #tpu.memory_space<vmem>> -> memref<8xi32, #tpu.memory_space<vmem>>
    %dma_start3A_24 = arith.constant 0 : i32
    %dma_start3A_25 = arith.constant 0 : i32
    %dma_start3A_26 = tpu.memref_slice %arg2[%dma_start3A_24, %dma_start3A_25] : memref<8192x2048xf32, #tpu.memory_space<hbm>> -> memref<8192x2048xf32, #tpu.memory_space<hbm>>
    tpu.enqueue_indirect_dma source(%dma_start3A_26 : memref<8192x2048xf32, #tpu.memory_space<hbm>>) target(%arg10 : memref<8x2048xf32, #tpu.memory_space<vmem>>) offsets(%dma_start3A_23 : memref<8xi32, #tpu.memory_space<vmem>>) semaphore(%arg17 : memref<!tpu.dma_semaphore, #tpu.memory_space<semaphore_mem>>)
    %dma_start3A_27 = arith.constant 40 : i32
    %dma_start3A_28 = tpu.memref_slice %arg5[%dma_start3A_27] : memref<1024xi32, #tpu.memory_space<vmem>> -> memref<8xi32, #tpu.memory_space<vmem>>
    %dma_start3A_29 = arith.constant 0 : i32
    %dma_start3A_30 = arith.constant 0 : i32
    %dma_start3A_31 = tpu.memref_slice %arg2[%dma_start3A_29, %dma_start3A_30] : memref<8192x2048xf32, #tpu.memory_space<hbm>> -> memref<8192x2048xf32, #tpu.memory_space<hbm>>
    tpu.enqueue_indirect_dma source(%dma_start3A_31 : memref<8192x2048xf32, #tpu.memory_space<hbm>>) target(%arg11 : memref<8x2048xf32, #tpu.memory_space<vmem>>) offsets(%dma_start3A_28 : memref<8xi32, #tpu.memory_space<vmem>>) semaphore(%arg18 : memref<!tpu.dma_semaphore, #tpu.memory_space<semaphore_mem>>)
    %dma_start3A_32 = arith.constant 48 : i32
    %dma_start3A_33 = tpu.memref_slice %arg5[%dma_start3A_32] : memref<1024xi32, #tpu.memory_space<vmem>> -> memref<8xi32, #tpu.memory_space<vmem>>
    %dma_start3A_34 = arith.constant 0 : i32
    %dma_start3A_35 = arith.constant 0 : i32
    %dma_start3A_36 = tpu.memref_slice %arg2[%dma_start3A_34, %dma_start3A_35] : memref<8192x2048xf32, #tpu.memory_space<hbm>> -> memref<8192x2048xf32, #tpu.memory_space<hbm>>
    tpu.enqueue_indirect_dma source(%dma_start3A_36 : memref<8192x2048xf32, #tpu.memory_space<hbm>>) target(%arg12 : memref<8x2048xf32, #tpu.memory_space<vmem>>) offsets(%dma_start3A_33 : memref<8xi32, #tpu.memory_space<vmem>>) semaphore(%arg19 : memref<!tpu.dma_semaphore, #tpu.memory_space<semaphore_mem>>)
    %scan3A = arith.constant 0 : i32
    %scan3A_37 = arith.constant 0 : i32
    %scan3A_38 = arith.constant 17 : i32
    %scan3A_39 = arith.addi %scan3A_37, %scan3A_38 : i32
    %scan3A_40 = arith.constant 1 : i32
    scf.for %scan3A_186 = %scan3A_37 to %scan3A_39 step %scan3A_40  : i32 {
      %mul3A_187 = arith.constant 7 : i32
      %mul3A_188 = arith.muli %scan3A_186, %mul3A_187 : i32
      %dma_wait3A_189 = arith.constant 0 : i32
      %dma_wait3A_190 = tpu.memref_slice %arg5[%dma_wait3A_189] : memref<1024xi32, #tpu.memory_space<vmem>> -> memref<8xi32, #tpu.memory_space<vmem>>
      %dma_wait3A_191 = arith.constant 0 : i32
      %dma_wait3A_192 = arith.constant 0 : i32
      %dma_wait3A_193 = tpu.memref_slice %arg2[%dma_wait3A_191, %dma_wait3A_192] : memref<8192x2048xf32, #tpu.memory_space<hbm>> -> memref<8192x2048xf32, #tpu.memory_space<hbm>>
      tpu.wait_indirect_dma semaphore(%arg13 : memref<!tpu.dma_semaphore, #tpu.memory_space<semaphore_mem>>) src(%dma_wait3A_193 : memref<8192x2048xf32, #tpu.memory_space<hbm>>) dst(%arg6 : memref<8x2048xf32, #tpu.memory_space<vmem>>)
      %add3A_194 = arith.constant 0 : i32
      %add3A_195 = arith.addi %mul3A_188, %add3A_194 : i32
      %mul3A_196 = arith.constant 8 : i32
      %mul3A_197 = arith.muli %add3A_195, %mul3A_196 : i32
      %add3A_198 = arith.addi %mul3A_2, %mul3A_197 : i32
      %dma_start3A_199 = arith.constant 0 : i32
      %dma_start3A_200 = tpu.memref_slice %arg4[%add3A_198, %dma_start3A_199] : memref<32768x2048xf32, #tpu.memory_space<hbm>> -> memref<8x2048xf32, #tpu.memory_space<hbm>>
      %dma_start3A_201 = arith.constant 0 : i32
      %dma_start3A_202 = tpu.memref_slice %arg4[%add3A_198, %dma_start3A_201] : memref<32768x2048xf32, #tpu.memory_space<hbm>> -> memref<8x2048xf32, #tpu.memory_space<hbm>>
      tpu.enqueue_dma source(%arg6 : memref<8x2048xf32, #tpu.memory_space<vmem>>) target(%dma_start3A_202 : memref<8x2048xf32, #tpu.memory_space<hbm>>) target_semaphore(%arg20 : memref<!tpu.dma_semaphore, #tpu.memory_space<semaphore_mem>>)
      %dma_wait3A_203 = arith.constant 0 : i32
      %dma_wait3A_204 = tpu.memref_slice %arg5[%dma_wait3A_203] : memref<1024xi32, #tpu.memory_space<vmem>> -> memref<8xi32, #tpu.memory_space<vmem>>
      %dma_wait3A_205 = arith.constant 0 : i32
      %dma_wait3A_206 = arith.constant 0 : i32
      %dma_wait3A_207 = tpu.memref_slice %arg2[%dma_wait3A_205, %dma_wait3A_206] : memref<8192x2048xf32, #tpu.memory_space<hbm>> -> memref<8192x2048xf32, #tpu.memory_space<hbm>>
      tpu.wait_indirect_dma semaphore(%arg14 : memref<!tpu.dma_semaphore, #tpu.memory_space<semaphore_mem>>) src(%dma_wait3A_207 : memref<8192x2048xf32, #tpu.memory_space<hbm>>) dst(%arg7 : memref<8x2048xf32, #tpu.memory_space<vmem>>)
      %add3A_208 = arith.constant 1 : i32
      %add3A_209 = arith.addi %mul3A_188, %add3A_208 : i32
      %mul3A_210 = arith.constant 8 : i32
      %mul3A_211 = arith.muli %add3A_209, %mul3A_210 : i32
      %add3A_212 = arith.addi %mul3A_2, %mul3A_211 : i32
      %dma_start3A_213 = arith.constant 0 : i32
      %dma_start3A_214 = tpu.memref_slice %arg4[%add3A_212, %dma_start3A_213] : memref<32768x2048xf32, #tpu.memory_space<hbm>> -> memref<8x2048xf32, #tpu.memory_space<hbm>>
      %dma_start3A_215 = arith.constant 0 : i32
      %dma_start3A_216 = tpu.memref_slice %arg4[%add3A_212, %dma_start3A_215] : memref<32768x2048xf32, #tpu.memory_space<hbm>> -> memref<8x2048xf32, #tpu.memory_space<hbm>>
      tpu.enqueue_dma source(%arg7 : memref<8x2048xf32, #tpu.memory_space<vmem>>) target(%dma_start3A_216 : memref<8x2048xf32, #tpu.memory_space<hbm>>) target_semaphore(%arg21 : memref<!tpu.dma_semaphore, #tpu.memory_space<semaphore_mem>>)
      %dma_wait3A_217 = arith.constant 0 : i32
      %dma_wait3A_218 = tpu.memref_slice %arg5[%dma_wait3A_217] : memref<1024xi32, #tpu.memory_space<vmem>> -> memref<8xi32, #tpu.memory_space<vmem>>
      %dma_wait3A_219 = arith.constant 0 : i32
      %dma_wait3A_220 = arith.constant 0 : i32
      %dma_wait3A_221 = tpu.memref_slice %arg2[%dma_wait3A_219, %dma_wait3A_220] : memref<8192x2048xf32, #tpu.memory_space<hbm>> -> memref<8192x2048xf32, #tpu.memory_space<hbm>>
      tpu.wait_indirect_dma semaphore(%arg15 : memref<!tpu.dma_semaphore, #tpu.memory_space<semaphore_mem>>) src(%dma_wait3A_221 : memref<8192x2048xf32, #tpu.memory_space<hbm>>) dst(%arg8 : memref<8x2048xf32, #tpu.memory_space<vmem>>)
      %add3A_222 = arith.constant 2 : i32
      %add3A_223 = arith.addi %mul3A_188, %add3A_222 : i32
      %mul3A_224 = arith.constant 8 : i32
      %mul3A_225 = arith.muli %add3A_223, %mul3A_224 : i32
      %add3A_226 = arith.addi %mul3A_2, %mul3A_225 : i32
      %dma_start3A_227 = arith.constant 0 : i32
      %dma_start3A_228 = tpu.memref_slice %arg4[%add3A_226, %dma_start3A_227] : memref<32768x2048xf32, #tpu.memory_space<hbm>> -> memref<8x2048xf32, #tpu.memory_space<hbm>>
      %dma_start3A_229 = arith.constant 0 : i32
      %dma_start3A_230 = tpu.memref_slice %arg4[%add3A_226, %dma_start3A_229] : memref<32768x2048xf32, #tpu.memory_space<hbm>> -> memref<8x2048xf32, #tpu.memory_space<hbm>>
      tpu.enqueue_dma source(%arg8 : memref<8x2048xf32, #tpu.memory_space<vmem>>) target(%dma_start3A_230 : memref<8x2048xf32, #tpu.memory_space<hbm>>) target_semaphore(%arg22 : memref<!tpu.dma_semaphore, #tpu.memory_space<semaphore_mem>>)
      %dma_wait3A_231 = arith.constant 0 : i32
      %dma_wait3A_232 = tpu.memref_slice %arg5[%dma_wait3A_231] : memref<1024xi32, #tpu.memory_space<vmem>> -> memref<8xi32, #tpu.memory_space<vmem>>
      %dma_wait3A_233 = arith.constant 0 : i32
      %dma_wait3A_234 = arith.constant 0 : i32
      %dma_wait3A_235 = tpu.memref_slice %arg2[%dma_wait3A_233, %dma_wait3A_234] : memref<8192x2048xf32, #tpu.memory_space<hbm>> -> memref<8192x2048xf32, #tpu.memory_space<hbm>>
      tpu.wait_indirect_dma semaphore(%arg16 : memref<!tpu.dma_semaphore, #tpu.memory_space<semaphore_mem>>) src(%dma_wait3A_235 : memref<8192x2048xf32, #tpu.memory_space<hbm>>) dst(%arg9 : memref<8x2048xf32, #tpu.memory_space<vmem>>)
      %add3A_236 = arith.constant 3 : i32
      %add3A_237 = arith.addi %mul3A_188, %add3A_236 : i32
      %mul3A_238 = arith.constant 8 : i32
      %mul3A_239 = arith.muli %add3A_237, %mul3A_238 : i32
      %add3A_240 = arith.addi %mul3A_2, %mul3A_239 : i32
      %dma_start3A_241 = arith.constant 0 : i32
      %dma_start3A_242 = tpu.memref_slice %arg4[%add3A_240, %dma_start3A_241] : memref<32768x2048xf32, #tpu.memory_space<hbm>> -> memref<8x2048xf32, #tpu.memory_space<hbm>>
      %dma_start3A_243 = arith.constant 0 : i32
      %dma_start3A_244 = tpu.memref_slice %arg4[%add3A_240, %dma_start3A_243] : memref<32768x2048xf32, #tpu.memory_space<hbm>> -> memref<8x2048xf32, #tpu.memory_space<hbm>>
      tpu.enqueue_dma source(%arg9 : memref<8x2048xf32, #tpu.memory_space<vmem>>) target(%dma_start3A_244 : memref<8x2048xf32, #tpu.memory_space<hbm>>) target_semaphore(%arg23 : memref<!tpu.dma_semaphore, #tpu.memory_space<semaphore_mem>>)
      %dma_wait3A_245 = arith.constant 0 : i32
      %dma_wait3A_246 = tpu.memref_slice %arg5[%dma_wait3A_245] : memref<1024xi32, #tpu.memory_space<vmem>> -> memref<8xi32, #tpu.memory_space<vmem>>
      %dma_wait3A_247 = arith.constant 0 : i32
      %dma_wait3A_248 = arith.constant 0 : i32
      %dma_wait3A_249 = tpu.memref_slice %arg2[%dma_wait3A_247, %dma_wait3A_248] : memref<8192x2048xf32, #tpu.memory_space<hbm>> -> memref<8192x2048xf32, #tpu.memory_space<hbm>>
      tpu.wait_indirect_dma semaphore(%arg17 : memref<!tpu.dma_semaphore, #tpu.memory_space<semaphore_mem>>) src(%dma_wait3A_249 : memref<8192x2048xf32, #tpu.memory_space<hbm>>) dst(%arg10 : memref<8x2048xf32, #tpu.memory_space<vmem>>)
      %add3A_250 = arith.constant 4 : i32
      %add3A_251 = arith.addi %mul3A_188, %add3A_250 : i32
      %mul3A_252 = arith.constant 8 : i32
      %mul3A_253 = arith.muli %add3A_251, %mul3A_252 : i32
      %add3A_254 = arith.addi %mul3A_2, %mul3A_253 : i32
      %dma_start3A_255 = arith.constant 0 : i32
      %dma_start3A_256 = tpu.memref_slice %arg4[%add3A_254, %dma_start3A_255] : memref<32768x2048xf32, #tpu.memory_space<hbm>> -> memref<8x2048xf32, #tpu.memory_space<hbm>>
      %dma_start3A_257 = arith.constant 0 : i32
      %dma_start3A_258 = tpu.memref_slice %arg4[%add3A_254, %dma_start3A_257] : memref<32768x2048xf32, #tpu.memory_space<hbm>> -> memref<8x2048xf32, #tpu.memory_space<hbm>>
      tpu.enqueue_dma source(%arg10 : memref<8x2048xf32, #tpu.memory_space<vmem>>) target(%dma_start3A_258 : memref<8x2048xf32, #tpu.memory_space<hbm>>) target_semaphore(%arg24 : memref<!tpu.dma_semaphore, #tpu.memory_space<semaphore_mem>>)
      %dma_wait3A_259 = arith.constant 0 : i32
      %dma_wait3A_260 = tpu.memref_slice %arg5[%dma_wait3A_259] : memref<1024xi32, #tpu.memory_space<vmem>> -> memref<8xi32, #tpu.memory_space<vmem>>
      %dma_wait3A_261 = arith.constant 0 : i32
      %dma_wait3A_262 = arith.constant 0 : i32
      %dma_wait3A_263 = tpu.memref_slice %arg2[%dma_wait3A_261, %dma_wait3A_262] : memref<8192x2048xf32, #tpu.memory_space<hbm>> -> memref<8192x2048xf32, #tpu.memory_space<hbm>>
      tpu.wait_indirect_dma semaphore(%arg18 : memref<!tpu.dma_semaphore, #tpu.memory_space<semaphore_mem>>) src(%dma_wait3A_263 : memref<8192x2048xf32, #tpu.memory_space<hbm>>) dst(%arg11 : memref<8x2048xf32, #tpu.memory_space<vmem>>)
      %add3A_264 = arith.constant 5 : i32
      %add3A_265 = arith.addi %mul3A_188, %add3A_264 : i32
      %mul3A_266 = arith.constant 8 : i32
      %mul3A_267 = arith.muli %add3A_265, %mul3A_266 : i32
      %add3A_268 = arith.addi %mul3A_2, %mul3A_267 : i32
      %dma_start3A_269 = arith.constant 0 : i32
      %dma_start3A_270 = tpu.memref_slice %arg4[%add3A_268, %dma_start3A_269] : memref<32768x2048xf32, #tpu.memory_space<hbm>> -> memref<8x2048xf32, #tpu.memory_space<hbm>>
      %dma_start3A_271 = arith.constant 0 : i32
      %dma_start3A_272 = tpu.memref_slice %arg4[%add3A_268, %dma_start3A_271] : memref<32768x2048xf32, #tpu.memory_space<hbm>> -> memref<8x2048xf32, #tpu.memory_space<hbm>>
      tpu.enqueue_dma source(%arg11 : memref<8x2048xf32, #tpu.memory_space<vmem>>) target(%dma_start3A_272 : memref<8x2048xf32, #tpu.memory_space<hbm>>) target_semaphore(%arg25 : memref<!tpu.dma_semaphore, #tpu.memory_space<semaphore_mem>>)
      %dma_wait3A_273 = arith.constant 0 : i32
      %dma_wait3A_274 = tpu.memref_slice %arg5[%dma_wait3A_273] : memref<1024xi32, #tpu.memory_space<vmem>> -> memref<8xi32, #tpu.memory_space<vmem>>
      %dma_wait3A_275 = arith.constant 0 : i32
      %dma_wait3A_276 = arith.constant 0 : i32
      %dma_wait3A_277 = tpu.memref_slice %arg2[%dma_wait3A_275, %dma_wait3A_276] : memref<8192x2048xf32, #tpu.memory_space<hbm>> -> memref<8192x2048xf32, #tpu.memory_space<hbm>>
      tpu.wait_indirect_dma semaphore(%arg19 : memref<!tpu.dma_semaphore, #tpu.memory_space<semaphore_mem>>) src(%dma_wait3A_277 : memref<8192x2048xf32, #tpu.memory_space<hbm>>) dst(%arg12 : memref<8x2048xf32, #tpu.memory_space<vmem>>)
      %add3A_278 = arith.constant 6 : i32
      %add3A_279 = arith.addi %mul3A_188, %add3A_278 : i32
      %mul3A_280 = arith.constant 8 : i32
      %mul3A_281 = arith.muli %add3A_279, %mul3A_280 : i32
      %add3A_282 = arith.addi %mul3A_2, %mul3A_281 : i32
      %dma_start3A_283 = arith.constant 0 : i32
      %dma_start3A_284 = tpu.memref_slice %arg4[%add3A_282, %dma_start3A_283] : memref<32768x2048xf32, #tpu.memory_space<hbm>> -> memref<8x2048xf32, #tpu.memory_space<hbm>>
      %dma_start3A_285 = arith.constant 0 : i32
      %dma_start3A_286 = tpu.memref_slice %arg4[%add3A_282, %dma_start3A_285] : memref<32768x2048xf32, #tpu.memory_space<hbm>> -> memref<8x2048xf32, #tpu.memory_space<hbm>>
      tpu.enqueue_dma source(%arg12 : memref<8x2048xf32, #tpu.memory_space<vmem>>) target(%dma_start3A_286 : memref<8x2048xf32, #tpu.memory_space<hbm>>) target_semaphore(%arg26 : memref<!tpu.dma_semaphore, #tpu.memory_space<semaphore_mem>>)
      %dma_wait3A_287 = arith.constant 0 : i32
      %dma_wait3A_288 = tpu.memref_slice %arg4[%mul3A_2, %dma_wait3A_287] : memref<32768x2048xf32, #tpu.memory_space<hbm>> -> memref<8x2048xf32, #tpu.memory_space<hbm>>
      %dma_wait3A_289 = arith.constant 0 : i32
      %dma_wait3A_290 = tpu.memref_slice %arg4[%mul3A_2, %dma_wait3A_289] : memref<32768x2048xf32, #tpu.memory_space<hbm>> -> memref<8x2048xf32, #tpu.memory_space<hbm>>
      tpu.wait_dma2 semaphore(%arg20 : memref<!tpu.dma_semaphore, #tpu.memory_space<semaphore_mem>>) src(%arg6 : memref<8x2048xf32, #tpu.memory_space<vmem>>) dst(%dma_wait3A_290 : memref<8x2048xf32, #tpu.memory_space<hbm>>)
      %add3A_291 = arith.constant 7 : i32
      %add3A_292 = arith.addi %mul3A_188, %add3A_291 : i32
      %add3A_293 = arith.constant 0 : i32
      %add3A_294 = arith.addi %add3A_292, %add3A_293 : i32
      %mul3A_295 = arith.constant 8 : i32
      %mul3A_296 = arith.muli %add3A_294, %mul3A_295 : i32
      %dma_start3A_297 = tpu.memref_slice %arg5[%mul3A_296] : memref<1024xi32, #tpu.memory_space<vmem>> -> memref<8xi32, #tpu.memory_space<vmem>>
      %dma_start3A_298 = arith.constant 0 : i32
      %dma_start3A_299 = arith.constant 0 : i32
      %dma_start3A_300 = tpu.memref_slice %arg2[%dma_start3A_298, %dma_start3A_299] : memref<8192x2048xf32, #tpu.memory_space<hbm>> -> memref<8192x2048xf32, #tpu.memory_space<hbm>>
      tpu.enqueue_indirect_dma source(%dma_start3A_300 : memref<8192x2048xf32, #tpu.memory_space<hbm>>) target(%arg6 : memref<8x2048xf32, #tpu.memory_space<vmem>>) offsets(%dma_start3A_297 : memref<8xi32, #tpu.memory_space<vmem>>) semaphore(%arg13 : memref<!tpu.dma_semaphore, #tpu.memory_space<semaphore_mem>>)
      %dma_wait3A_301 = arith.constant 0 : i32
      %dma_wait3A_302 = tpu.memref_slice %arg4[%mul3A_2, %dma_wait3A_301] : memref<32768x2048xf32, #tpu.memory_space<hbm>> -> memref<8x2048xf32, #tpu.memory_space<hbm>>
      %dma_wait3A_303 = arith.constant 0 : i32
      %dma_wait3A_304 = tpu.memref_slice %arg4[%mul3A_2, %dma_wait3A_303] : memref<32768x2048xf32, #tpu.memory_space<hbm>> -> memref<8x2048xf32, #tpu.memory_space<hbm>>
      tpu.wait_dma2 semaphore(%arg21 : memref<!tpu.dma_semaphore, #tpu.memory_space<semaphore_mem>>) src(%arg7 : memref<8x2048xf32, #tpu.memory_space<vmem>>) dst(%dma_wait3A_304 : memref<8x2048xf32, #tpu.memory_space<hbm>>)
      %add3A_305 = arith.constant 7 : i32
      %add3A_306 = arith.addi %mul3A_188, %add3A_305 : i32
      %add3A_307 = arith.constant 1 : i32
      %add3A_308 = arith.addi %add3A_306, %add3A_307 : i32
      %mul3A_309 = arith.constant 8 : i32
      %mul3A_310 = arith.muli %add3A_308, %mul3A_309 : i32
      %dma_start3A_311 = tpu.memref_slice %arg5[%mul3A_310] : memref<1024xi32, #tpu.memory_space<vmem>> -> memref<8xi32, #tpu.memory_space<vmem>>
      %dma_start3A_312 = arith.constant 0 : i32
      %dma_start3A_313 = arith.constant 0 : i32
      %dma_start3A_314 = tpu.memref_slice %arg2[%dma_start3A_312, %dma_start3A_313] : memref<8192x2048xf32, #tpu.memory_space<hbm>> -> memref<8192x2048xf32, #tpu.memory_space<hbm>>
      tpu.enqueue_indirect_dma source(%dma_start3A_314 : memref<8192x2048xf32, #tpu.memory_space<hbm>>) target(%arg7 : memref<8x2048xf32, #tpu.memory_space<vmem>>) offsets(%dma_start3A_311 : memref<8xi32, #tpu.memory_space<vmem>>) semaphore(%arg14 : memref<!tpu.dma_semaphore, #tpu.memory_space<semaphore_mem>>)
      %dma_wait3A_315 = arith.constant 0 : i32
      %dma_wait3A_316 = tpu.memref_slice %arg4[%mul3A_2, %dma_wait3A_315] : memref<32768x2048xf32, #tpu.memory_space<hbm>> -> memref<8x2048xf32, #tpu.memory_space<hbm>>
      %dma_wait3A_317 = arith.constant 0 : i32
      %dma_wait3A_318 = tpu.memref_slice %arg4[%mul3A_2, %dma_wait3A_317] : memref<32768x2048xf32, #tpu.memory_space<hbm>> -> memref<8x2048xf32, #tpu.memory_space<hbm>>
      tpu.wait_dma2 semaphore(%arg22 : memref<!tpu.dma_semaphore, #tpu.memory_space<semaphore_mem>>) src(%arg8 : memref<8x2048xf32, #tpu.memory_space<vmem>>) dst(%dma_wait3A_318 : memref<8x2048xf32, #tpu.memory_space<hbm>>)
      %add3A_319 = arith.constant 7 : i32
      %add3A_320 = arith.addi %mul3A_188, %add3A_319 : i32
      %add3A_321 = arith.constant 2 : i32
      %add3A_322 = arith.addi %add3A_320, %add3A_321 : i32
      %mul3A_323 = arith.constant 8 : i32
      %mul3A_324 = arith.muli %add3A_322, %mul3A_323 : i32
      %dma_start3A_325 = tpu.memref_slice %arg5[%mul3A_324] : memref<1024xi32, #tpu.memory_space<vmem>> -> memref<8xi32, #tpu.memory_space<vmem>>
      %dma_start3A_326 = arith.constant 0 : i32
      %dma_start3A_327 = arith.constant 0 : i32
      %dma_start3A_328 = tpu.memref_slice %arg2[%dma_start3A_326, %dma_start3A_327] : memref<8192x2048xf32, #tpu.memory_space<hbm>> -> memref<8192x2048xf32, #tpu.memory_space<hbm>>
      tpu.enqueue_indirect_dma source(%dma_start3A_328 : memref<8192x2048xf32, #tpu.memory_space<hbm>>) target(%arg8 : memref<8x2048xf32, #tpu.memory_space<vmem>>) offsets(%dma_start3A_325 : memref<8xi32, #tpu.memory_space<vmem>>) semaphore(%arg15 : memref<!tpu.dma_semaphore, #tpu.memory_space<semaphore_mem>>)
      %dma_wait3A_329 = arith.constant 0 : i32
      %dma_wait3A_330 = tpu.memref_slice %arg4[%mul3A_2, %dma_wait3A_329] : memref<32768x2048xf32, #tpu.memory_space<hbm>> -> memref<8x2048xf32, #tpu.memory_space<hbm>>
      %dma_wait3A_331 = arith.constant 0 : i32
      %dma_wait3A_332 = tpu.memref_slice %arg4[%mul3A_2, %dma_wait3A_331] : memref<32768x2048xf32, #tpu.memory_space<hbm>> -> memref<8x2048xf32, #tpu.memory_space<hbm>>
      tpu.wait_dma2 semaphore(%arg23 : memref<!tpu.dma_semaphore, #tpu.memory_space<semaphore_mem>>) src(%arg9 : memref<8x2048xf32, #tpu.memory_space<vmem>>) dst(%dma_wait3A_332 : memref<8x2048xf32, #tpu.memory_space<hbm>>)
      %add3A_333 = arith.constant 7 : i32
      %add3A_334 = arith.addi %mul3A_188, %add3A_333 : i32
      %add3A_335 = arith.constant 3 : i32
      %add3A_336 = arith.addi %add3A_334, %add3A_335 : i32
      %mul3A_337 = arith.constant 8 : i32
      %mul3A_338 = arith.muli %add3A_336, %mul3A_337 : i32
      %dma_start3A_339 = tpu.memref_slice %arg5[%mul3A_338] : memref<1024xi32, #tpu.memory_space<vmem>> -> memref<8xi32, #tpu.memory_space<vmem>>
      %dma_start3A_340 = arith.constant 0 : i32
      %dma_start3A_341 = arith.constant 0 : i32
      %dma_start3A_342 = tpu.memref_slice %arg2[%dma_start3A_340, %dma_start3A_341] : memref<8192x2048xf32, #tpu.memory_space<hbm>> -> memref<8192x2048xf32, #tpu.memory_space<hbm>>
      tpu.enqueue_indirect_dma source(%dma_start3A_342 : memref<8192x2048xf32, #tpu.memory_space<hbm>>) target(%arg9 : memref<8x2048xf32, #tpu.memory_space<vmem>>) offsets(%dma_start3A_339 : memref<8xi32, #tpu.memory_space<vmem>>) semaphore(%arg16 : memref<!tpu.dma_semaphore, #tpu.memory_space<semaphore_mem>>)
      %dma_wait3A_343 = arith.constant 0 : i32
      %dma_wait3A_344 = tpu.memref_slice %arg4[%mul3A_2, %dma_wait3A_343] : memref<32768x2048xf32, #tpu.memory_space<hbm>> -> memref<8x2048xf32, #tpu.memory_space<hbm>>
      %dma_wait3A_345 = arith.constant 0 : i32
      %dma_wait3A_346 = tpu.memref_slice %arg4[%mul3A_2, %dma_wait3A_345] : memref<32768x2048xf32, #tpu.memory_space<hbm>> -> memref<8x2048xf32, #tpu.memory_space<hbm>>
      tpu.wait_dma2 semaphore(%arg24 : memref<!tpu.dma_semaphore, #tpu.memory_space<semaphore_mem>>) src(%arg10 : memref<8x2048xf32, #tpu.memory_space<vmem>>) dst(%dma_wait3A_346 : memref<8x2048xf32, #tpu.memory_space<hbm>>)
      %add3A_347 = arith.constant 7 : i32
      %add3A_348 = arith.addi %mul3A_188, %add3A_347 : i32
      %add3A_349 = arith.constant 4 : i32
      %add3A_350 = arith.addi %add3A_348, %add3A_349 : i32
      %mul3A_351 = arith.constant 8 : i32
      %mul3A_352 = arith.muli %add3A_350, %mul3A_351 : i32
      %dma_start3A_353 = tpu.memref_slice %arg5[%mul3A_352] : memref<1024xi32, #tpu.memory_space<vmem>> -> memref<8xi32, #tpu.memory_space<vmem>>
      %dma_start3A_354 = arith.constant 0 : i32
      %dma_start3A_355 = arith.constant 0 : i32
      %dma_start3A_356 = tpu.memref_slice %arg2[%dma_start3A_354, %dma_start3A_355] : memref<8192x2048xf32, #tpu.memory_space<hbm>> -> memref<8192x2048xf32, #tpu.memory_space<hbm>>
      tpu.enqueue_indirect_dma source(%dma_start3A_356 : memref<8192x2048xf32, #tpu.memory_space<hbm>>) target(%arg10 : memref<8x2048xf32, #tpu.memory_space<vmem>>) offsets(%dma_start3A_353 : memref<8xi32, #tpu.memory_space<vmem>>) semaphore(%arg17 : memref<!tpu.dma_semaphore, #tpu.memory_space<semaphore_mem>>)
      %dma_wait3A_357 = arith.constant 0 : i32
      %dma_wait3A_358 = tpu.memref_slice %arg4[%mul3A_2, %dma_wait3A_357] : memref<32768x2048xf32, #tpu.memory_space<hbm>> -> memref<8x2048xf32, #tpu.memory_space<hbm>>
      %dma_wait3A_359 = arith.constant 0 : i32
      %dma_wait3A_360 = tpu.memref_slice %arg4[%mul3A_2, %dma_wait3A_359] : memref<32768x2048xf32, #tpu.memory_space<hbm>> -> memref<8x2048xf32, #tpu.memory_space<hbm>>
      tpu.wait_dma2 semaphore(%arg25 : memref<!tpu.dma_semaphore, #tpu.memory_space<semaphore_mem>>) src(%arg11 : memref<8x2048xf32, #tpu.memory_space<vmem>>) dst(%dma_wait3A_360 : memref<8x2048xf32, #tpu.memory_space<hbm>>)
      %add3A_361 = arith.constant 7 : i32
      %add3A_362 = arith.addi %mul3A_188, %add3A_361 : i32
      %add3A_363 = arith.constant 5 : i32
      %add3A_364 = arith.addi %add3A_362, %add3A_363 : i32
      %mul3A_365 = arith.constant 8 : i32
      %mul3A_366 = arith.muli %add3A_364, %mul3A_365 : i32
      %dma_start3A_367 = tpu.memref_slice %arg5[%mul3A_366] : memref<1024xi32, #tpu.memory_space<vmem>> -> memref<8xi32, #tpu.memory_space<vmem>>
      %dma_start3A_368 = arith.constant 0 : i32
      %dma_start3A_369 = arith.constant 0 : i32
      %dma_start3A_370 = tpu.memref_slice %arg2[%dma_start3A_368, %dma_start3A_369] : memref<8192x2048xf32, #tpu.memory_space<hbm>> -> memref<8192x2048xf32, #tpu.memory_space<hbm>>
      tpu.enqueue_indirect_dma source(%dma_start3A_370 : memref<8192x2048xf32, #tpu.memory_space<hbm>>) target(%arg11 : memref<8x2048xf32, #tpu.memory_space<vmem>>) offsets(%dma_start3A_367 : memref<8xi32, #tpu.memory_space<vmem>>) semaphore(%arg18 : memref<!tpu.dma_semaphore, #tpu.memory_space<semaphore_mem>>)
      %dma_wait3A_371 = arith.constant 0 : i32
      %dma_wait3A_372 = tpu.memref_slice %arg4[%mul3A_2, %dma_wait3A_371] : memref<32768x2048xf32, #tpu.memory_space<hbm>> -> memref<8x2048xf32, #tpu.memory_space<hbm>>
      %dma_wait3A_373 = arith.constant 0 : i32
      %dma_wait3A_374 = tpu.memref_slice %arg4[%mul3A_2, %dma_wait3A_373] : memref<32768x2048xf32, #tpu.memory_space<hbm>> -> memref<8x2048xf32, #tpu.memory_space<hbm>>
      tpu.wait_dma2 semaphore(%arg26 : memref<!tpu.dma_semaphore, #tpu.memory_space<semaphore_mem>>) src(%arg12 : memref<8x2048xf32, #tpu.memory_space<vmem>>) dst(%dma_wait3A_374 : memref<8x2048xf32, #tpu.memory_space<hbm>>)
      %add3A_375 = arith.constant 7 : i32
      %add3A_376 = arith.addi %mul3A_188, %add3A_375 : i32
      %add3A_377 = arith.constant 6 : i32
      %add3A_378 = arith.addi %add3A_376, %add3A_377 : i32
      %mul3A_379 = arith.constant 8 : i32
      %mul3A_380 = arith.muli %add3A_378, %mul3A_379 : i32
      %dma_start3A_381 = tpu.memref_slice %arg5[%mul3A_380] : memref<1024xi32, #tpu.memory_space<vmem>> -> memref<8xi32, #tpu.memory_space<vmem>>
      %dma_start3A_382 = arith.constant 0 : i32
      %dma_start3A_383 = arith.constant 0 : i32
      %dma_start3A_384 = tpu.memref_slice %arg2[%dma_start3A_382, %dma_start3A_383] : memref<8192x2048xf32, #tpu.memory_space<hbm>> -> memref<8192x2048xf32, #tpu.memory_space<hbm>>
      tpu.enqueue_indirect_dma source(%dma_start3A_384 : memref<8192x2048xf32, #tpu.memory_space<hbm>>) target(%arg12 : memref<8x2048xf32, #tpu.memory_space<vmem>>) offsets(%dma_start3A_381 : memref<8xi32, #tpu.memory_space<vmem>>) semaphore(%arg19 : memref<!tpu.dma_semaphore, #tpu.memory_space<semaphore_mem>>)
    }
    %scan3A_41 = arith.constant 17 : i32
    %dma_wait3A = arith.constant 0 : i32
    %dma_wait3A_42 = tpu.memref_slice %arg5[%dma_wait3A] : memref<1024xi32, #tpu.memory_space<vmem>> -> memref<8xi32, #tpu.memory_space<vmem>>
    %dma_wait3A_43 = arith.constant 0 : i32
    %dma_wait3A_44 = arith.constant 0 : i32
    %dma_wait3A_45 = tpu.memref_slice %arg2[%dma_wait3A_43, %dma_wait3A_44] : memref<8192x2048xf32, #tpu.memory_space<hbm>> -> memref<8192x2048xf32, #tpu.memory_space<hbm>>
    tpu.wait_indirect_dma semaphore(%arg13 : memref<!tpu.dma_semaphore, #tpu.memory_space<semaphore_mem>>) src(%dma_wait3A_45 : memref<8192x2048xf32, #tpu.memory_space<hbm>>) dst(%arg6 : memref<8x2048xf32, #tpu.memory_space<vmem>>)
    %add3A_46 = arith.constant 952 : i32
    %add3A_47 = arith.addi %mul3A_2, %add3A_46 : i32
    %dma_start3A_48 = arith.constant 0 : i32
    %dma_start3A_49 = tpu.memref_slice %arg4[%add3A_47, %dma_start3A_48] : memref<32768x2048xf32, #tpu.memory_space<hbm>> -> memref<8x2048xf32, #tpu.memory_space<hbm>>
    %dma_start3A_50 = arith.constant 0 : i32
    %dma_start3A_51 = tpu.memref_slice %arg4[%add3A_47, %dma_start3A_50] : memref<32768x2048xf32, #tpu.memory_space<hbm>> -> memref<8x2048xf32, #tpu.memory_space<hbm>>
    tpu.enqueue_dma source(%arg6 : memref<8x2048xf32, #tpu.memory_space<vmem>>) target(%dma_start3A_51 : memref<8x2048xf32, #tpu.memory_space<hbm>>) target_semaphore(%arg20 : memref<!tpu.dma_semaphore, #tpu.memory_space<semaphore_mem>>)
    %dma_wait3A_52 = arith.constant 0 : i32
    %dma_wait3A_53 = tpu.memref_slice %arg5[%dma_wait3A_52] : memref<1024xi32, #tpu.memory_space<vmem>> -> memref<8xi32, #tpu.memory_space<vmem>>
    %dma_wait3A_54 = arith.constant 0 : i32
    %dma_wait3A_55 = arith.constant 0 : i32
    %dma_wait3A_56 = tpu.memref_slice %arg2[%dma_wait3A_54, %dma_wait3A_55] : memref<8192x2048xf32, #tpu.memory_space<hbm>> -> memref<8192x2048xf32, #tpu.memory_space<hbm>>
    tpu.wait_indirect_dma semaphore(%arg14 : memref<!tpu.dma_semaphore, #tpu.memory_space<semaphore_mem>>) src(%dma_wait3A_56 : memref<8192x2048xf32, #tpu.memory_space<hbm>>) dst(%arg7 : memref<8x2048xf32, #tpu.memory_space<vmem>>)
    %add3A_57 = arith.constant 960 : i32
    %add3A_58 = arith.addi %mul3A_2, %add3A_57 : i32
    %dma_start3A_59 = arith.constant 0 : i32
    %dma_start3A_60 = tpu.memref_slice %arg4[%add3A_58, %dma_start3A_59] : memref<32768x2048xf32, #tpu.memory_space<hbm>> -> memref<8x2048xf32, #tpu.memory_space<hbm>>
    %dma_start3A_61 = arith.constant 0 : i32
    %dma_start3A_62 = tpu.memref_slice %arg4[%add3A_58, %dma_start3A_61] : memref<32768x2048xf32, #tpu.memory_space<hbm>> -> memref<8x2048xf32, #tpu.memory_space<hbm>>
    tpu.enqueue_dma source(%arg7 : memref<8x2048xf32, #tpu.memory_space<vmem>>) target(%dma_start3A_62 : memref<8x2048xf32, #tpu.memory_space<hbm>>) target_semaphore(%arg21 : memref<!tpu.dma_semaphore, #tpu.memory_space<semaphore_mem>>)
    %dma_wait3A_63 = arith.constant 0 : i32
    %dma_wait3A_64 = tpu.memref_slice %arg5[%dma_wait3A_63] : memref<1024xi32, #tpu.memory_space<vmem>> -> memref<8xi32, #tpu.memory_space<vmem>>
    %dma_wait3A_65 = arith.constant 0 : i32
    %dma_wait3A_66 = arith.constant 0 : i32
    %dma_wait3A_67 = tpu.memref_slice %arg2[%dma_wait3A_65, %dma_wait3A_66] : memref<8192x2048xf32, #tpu.memory_space<hbm>> -> memref<8192x2048xf32, #tpu.memory_space<hbm>>
    tpu.wait_indirect_dma semaphore(%arg15 : memref<!tpu.dma_semaphore, #tpu.memory_space<semaphore_mem>>) src(%dma_wait3A_67 : memref<8192x2048xf32, #tpu.memory_space<hbm>>) dst(%arg8 : memref<8x2048xf32, #tpu.memory_space<vmem>>)
    %add3A_68 = arith.constant 968 : i32
    %add3A_69 = arith.addi %mul3A_2, %add3A_68 : i32
    %dma_start3A_70 = arith.constant 0 : i32
    %dma_start3A_71 = tpu.memref_slice %arg4[%add3A_69, %dma_start3A_70] : memref<32768x2048xf32, #tpu.memory_space<hbm>> -> memref<8x2048xf32, #tpu.memory_space<hbm>>
    %dma_start3A_72 = arith.constant 0 : i32
    %dma_start3A_73 = tpu.memref_slice %arg4[%add3A_69, %dma_start3A_72] : memref<32768x2048xf32, #tpu.memory_space<hbm>> -> memref<8x2048xf32, #tpu.memory_space<hbm>>
    tpu.enqueue_dma source(%arg8 : memref<8x2048xf32, #tpu.memory_space<vmem>>) target(%dma_start3A_73 : memref<8x2048xf32, #tpu.memory_space<hbm>>) target_semaphore(%arg22 : memref<!tpu.dma_semaphore, #tpu.memory_space<semaphore_mem>>)
    %dma_wait3A_74 = arith.constant 0 : i32
    %dma_wait3A_75 = tpu.memref_slice %arg5[%dma_wait3A_74] : memref<1024xi32, #tpu.memory_space<vmem>> -> memref<8xi32, #tpu.memory_space<vmem>>
    %dma_wait3A_76 = arith.constant 0 : i32
    %dma_wait3A_77 = arith.constant 0 : i32
    %dma_wait3A_78 = tpu.memref_slice %arg2[%dma_wait3A_76, %dma_wait3A_77] : memref<8192x2048xf32, #tpu.memory_space<hbm>> -> memref<8192x2048xf32, #tpu.memory_space<hbm>>
    tpu.wait_indirect_dma semaphore(%arg16 : memref<!tpu.dma_semaphore, #tpu.memory_space<semaphore_mem>>) src(%dma_wait3A_78 : memref<8192x2048xf32, #tpu.memory_space<hbm>>) dst(%arg9 : memref<8x2048xf32, #tpu.memory_space<vmem>>)
    %add3A_79 = arith.constant 976 : i32
    %add3A_80 = arith.addi %mul3A_2, %add3A_79 : i32
    %dma_start3A_81 = arith.constant 0 : i32
    %dma_start3A_82 = tpu.memref_slice %arg4[%add3A_80, %dma_start3A_81] : memref<32768x2048xf32, #tpu.memory_space<hbm>> -> memref<8x2048xf32, #tpu.memory_space<hbm>>
    %dma_start3A_83 = arith.constant 0 : i32
    %dma_start3A_84 = tpu.memref_slice %arg4[%add3A_80, %dma_start3A_83] : memref<32768x2048xf32, #tpu.memory_space<hbm>> -> memref<8x2048xf32, #tpu.memory_space<hbm>>
    tpu.enqueue_dma source(%arg9 : memref<8x2048xf32, #tpu.memory_space<vmem>>) target(%dma_start3A_84 : memref<8x2048xf32, #tpu.memory_space<hbm>>) target_semaphore(%arg23 : memref<!tpu.dma_semaphore, #tpu.memory_space<semaphore_mem>>)
    %dma_wait3A_85 = arith.constant 0 : i32
    %dma_wait3A_86 = tpu.memref_slice %arg5[%dma_wait3A_85] : memref<1024xi32, #tpu.memory_space<vmem>> -> memref<8xi32, #tpu.memory_space<vmem>>
    %dma_wait3A_87 = arith.constant 0 : i32
    %dma_wait3A_88 = arith.constant 0 : i32
    %dma_wait3A_89 = tpu.memref_slice %arg2[%dma_wait3A_87, %dma_wait3A_88] : memref<8192x2048xf32, #tpu.memory_space<hbm>> -> memref<8192x2048xf32, #tpu.memory_space<hbm>>
    tpu.wait_indirect_dma semaphore(%arg17 : memref<!tpu.dma_semaphore, #tpu.memory_space<semaphore_mem>>) src(%dma_wait3A_89 : memref<8192x2048xf32, #tpu.memory_space<hbm>>) dst(%arg10 : memref<8x2048xf32, #tpu.memory_space<vmem>>)
    %add3A_90 = arith.constant 984 : i32
    %add3A_91 = arith.addi %mul3A_2, %add3A_90 : i32
    %dma_start3A_92 = arith.constant 0 : i32
    %dma_start3A_93 = tpu.memref_slice %arg4[%add3A_91, %dma_start3A_92] : memref<32768x2048xf32, #tpu.memory_space<hbm>> -> memref<8x2048xf32, #tpu.memory_space<hbm>>
    %dma_start3A_94 = arith.constant 0 : i32
    %dma_start3A_95 = tpu.memref_slice %arg4[%add3A_91, %dma_start3A_94] : memref<32768x2048xf32, #tpu.memory_space<hbm>> -> memref<8x2048xf32, #tpu.memory_space<hbm>>
    tpu.enqueue_dma source(%arg10 : memref<8x2048xf32, #tpu.memory_space<vmem>>) target(%dma_start3A_95 : memref<8x2048xf32, #tpu.memory_space<hbm>>) target_semaphore(%arg24 : memref<!tpu.dma_semaphore, #tpu.memory_space<semaphore_mem>>)
    %dma_wait3A_96 = arith.constant 0 : i32
    %dma_wait3A_97 = tpu.memref_slice %arg5[%dma_wait3A_96] : memref<1024xi32, #tpu.memory_space<vmem>> -> memref<8xi32, #tpu.memory_space<vmem>>
    %dma_wait3A_98 = arith.constant 0 : i32
    %dma_wait3A_99 = arith.constant 0 : i32
    %dma_wait3A_100 = tpu.memref_slice %arg2[%dma_wait3A_98, %dma_wait3A_99] : memref<8192x2048xf32, #tpu.memory_space<hbm>> -> memref<8192x2048xf32, #tpu.memory_space<hbm>>
    tpu.wait_indirect_dma semaphore(%arg18 : memref<!tpu.dma_semaphore, #tpu.memory_space<semaphore_mem>>) src(%dma_wait3A_100 : memref<8192x2048xf32, #tpu.memory_space<hbm>>) dst(%arg11 : memref<8x2048xf32, #tpu.memory_space<vmem>>)
    %add3A_101 = arith.constant 992 : i32
    %add3A_102 = arith.addi %mul3A_2, %add3A_101 : i32
    %dma_start3A_103 = arith.constant 0 : i32
    %dma_start3A_104 = tpu.memref_slice %arg4[%add3A_102, %dma_start3A_103] : memref<32768x2048xf32, #tpu.memory_space<hbm>> -> memref<8x2048xf32, #tpu.memory_space<hbm>>
    %dma_start3A_105 = arith.constant 0 : i32
    %dma_start3A_106 = tpu.memref_slice %arg4[%add3A_102, %dma_start3A_105] : memref<32768x2048xf32, #tpu.memory_space<hbm>> -> memref<8x2048xf32, #tpu.memory_space<hbm>>
    tpu.enqueue_dma source(%arg11 : memref<8x2048xf32, #tpu.memory_space<vmem>>) target(%dma_start3A_106 : memref<8x2048xf32, #tpu.memory_space<hbm>>) target_semaphore(%arg25 : memref<!tpu.dma_semaphore, #tpu.memory_space<semaphore_mem>>)
    %dma_wait3A_107 = arith.constant 0 : i32
    %dma_wait3A_108 = tpu.memref_slice %arg5[%dma_wait3A_107] : memref<1024xi32, #tpu.memory_space<vmem>> -> memref<8xi32, #tpu.memory_space<vmem>>
    %dma_wait3A_109 = arith.constant 0 : i32
    %dma_wait3A_110 = arith.constant 0 : i32
    %dma_wait3A_111 = tpu.memref_slice %arg2[%dma_wait3A_109, %dma_wait3A_110] : memref<8192x2048xf32, #tpu.memory_space<hbm>> -> memref<8192x2048xf32, #tpu.memory_space<hbm>>
    tpu.wait_indirect_dma semaphore(%arg19 : memref<!tpu.dma_semaphore, #tpu.memory_space<semaphore_mem>>) src(%dma_wait3A_111 : memref<8192x2048xf32, #tpu.memory_space<hbm>>) dst(%arg12 : memref<8x2048xf32, #tpu.memory_space<vmem>>)
    %add3A_112 = arith.constant 1000 : i32
    %add3A_113 = arith.addi %mul3A_2, %add3A_112 : i32
    %dma_start3A_114 = arith.constant 0 : i32
    %dma_start3A_115 = tpu.memref_slice %arg4[%add3A_113, %dma_start3A_114] : memref<32768x2048xf32, #tpu.memory_space<hbm>> -> memref<8x2048xf32, #tpu.memory_space<hbm>>
    %dma_start3A_116 = arith.constant 0 : i32
    %dma_start3A_117 = tpu.memref_slice %arg4[%add3A_113, %dma_start3A_116] : memref<32768x2048xf32, #tpu.memory_space<hbm>> -> memref<8x2048xf32, #tpu.memory_space<hbm>>
    tpu.enqueue_dma source(%arg12 : memref<8x2048xf32, #tpu.memory_space<vmem>>) target(%dma_start3A_117 : memref<8x2048xf32, #tpu.memory_space<hbm>>) target_semaphore(%arg26 : memref<!tpu.dma_semaphore, #tpu.memory_space<semaphore_mem>>)
    %dma_wait3A_118 = arith.constant 0 : i32
    %dma_wait3A_119 = tpu.memref_slice %arg4[%mul3A_2, %dma_wait3A_118] : memref<32768x2048xf32, #tpu.memory_space<hbm>> -> memref<8x2048xf32, #tpu.memory_space<hbm>>
    %dma_wait3A_120 = arith.constant 0 : i32
    %dma_wait3A_121 = tpu.memref_slice %arg4[%mul3A_2, %dma_wait3A_120] : memref<32768x2048xf32, #tpu.memory_space<hbm>> -> memref<8x2048xf32, #tpu.memory_space<hbm>>
    tpu.wait_dma2 semaphore(%arg20 : memref<!tpu.dma_semaphore, #tpu.memory_space<semaphore_mem>>) src(%arg6 : memref<8x2048xf32, #tpu.memory_space<vmem>>) dst(%dma_wait3A_121 : memref<8x2048xf32, #tpu.memory_space<hbm>>)
    %dma_start3A_122 = arith.constant 1008 : i32
    %dma_start3A_123 = tpu.memref_slice %arg5[%dma_start3A_122] : memref<1024xi32, #tpu.memory_space<vmem>> -> memref<8xi32, #tpu.memory_space<vmem>>
    %dma_start3A_124 = arith.constant 0 : i32
    %dma_start3A_125 = arith.constant 0 : i32
    %dma_start3A_126 = tpu.memref_slice %arg2[%dma_start3A_124, %dma_start3A_125] : memref<8192x2048xf32, #tpu.memory_space<hbm>> -> memref<8192x2048xf32, #tpu.memory_space<hbm>>
    tpu.enqueue_indirect_dma source(%dma_start3A_126 : memref<8192x2048xf32, #tpu.memory_space<hbm>>) target(%arg6 : memref<8x2048xf32, #tpu.memory_space<vmem>>) offsets(%dma_start3A_123 : memref<8xi32, #tpu.memory_space<vmem>>) semaphore(%arg13 : memref<!tpu.dma_semaphore, #tpu.memory_space<semaphore_mem>>)
    %dma_wait3A_127 = arith.constant 0 : i32
    %dma_wait3A_128 = tpu.memref_slice %arg4[%mul3A_2, %dma_wait3A_127] : memref<32768x2048xf32, #tpu.memory_space<hbm>> -> memref<8x2048xf32, #tpu.memory_space<hbm>>
    %dma_wait3A_129 = arith.constant 0 : i32
    %dma_wait3A_130 = tpu.memref_slice %arg4[%mul3A_2, %dma_wait3A_129] : memref<32768x2048xf32, #tpu.memory_space<hbm>> -> memref<8x2048xf32, #tpu.memory_space<hbm>>
    tpu.wait_dma2 semaphore(%arg21 : memref<!tpu.dma_semaphore, #tpu.memory_space<semaphore_mem>>) src(%arg7 : memref<8x2048xf32, #tpu.memory_space<vmem>>) dst(%dma_wait3A_130 : memref<8x2048xf32, #tpu.memory_space<hbm>>)
    %dma_start3A_131 = arith.constant 1016 : i32
    %dma_start3A_132 = tpu.memref_slice %arg5[%dma_start3A_131] : memref<1024xi32, #tpu.memory_space<vmem>> -> memref<8xi32, #tpu.memory_space<vmem>>
    %dma_start3A_133 = arith.constant 0 : i32
    %dma_start3A_134 = arith.constant 0 : i32
    %dma_start3A_135 = tpu.memref_slice %arg2[%dma_start3A_133, %dma_start3A_134] : memref<8192x2048xf32, #tpu.memory_space<hbm>> -> memref<8192x2048xf32, #tpu.memory_space<hbm>>
    tpu.enqueue_indirect_dma source(%dma_start3A_135 : memref<8192x2048xf32, #tpu.memory_space<hbm>>) target(%arg7 : memref<8x2048xf32, #tpu.memory_space<vmem>>) offsets(%dma_start3A_132 : memref<8xi32, #tpu.memory_space<vmem>>) semaphore(%arg14 : memref<!tpu.dma_semaphore, #tpu.memory_space<semaphore_mem>>)
    %dma_wait3A_136 = arith.constant 0 : i32
    %dma_wait3A_137 = tpu.memref_slice %arg5[%dma_wait3A_136] : memref<1024xi32, #tpu.memory_space<vmem>> -> memref<8xi32, #tpu.memory_space<vmem>>
    %dma_wait3A_138 = arith.constant 0 : i32
    %dma_wait3A_139 = arith.constant 0 : i32
    %dma_wait3A_140 = tpu.memref_slice %arg2[%dma_wait3A_138, %dma_wait3A_139] : memref<8192x2048xf32, #tpu.memory_space<hbm>> -> memref<8192x2048xf32, #tpu.memory_space<hbm>>
    tpu.wait_indirect_dma semaphore(%arg13 : memref<!tpu.dma_semaphore, #tpu.memory_space<semaphore_mem>>) src(%dma_wait3A_140 : memref<8192x2048xf32, #tpu.memory_space<hbm>>) dst(%arg6 : memref<8x2048xf32, #tpu.memory_space<vmem>>)
    %add3A_141 = arith.constant 1008 : i32
    %add3A_142 = arith.addi %mul3A_2, %add3A_141 : i32
    %dma_start3A_143 = arith.constant 0 : i32
    %dma_start3A_144 = tpu.memref_slice %arg4[%add3A_142, %dma_start3A_143] : memref<32768x2048xf32, #tpu.memory_space<hbm>> -> memref<8x2048xf32, #tpu.memory_space<hbm>>
    %dma_start3A_145 = arith.constant 0 : i32
    %dma_start3A_146 = tpu.memref_slice %arg4[%add3A_142, %dma_start3A_145] : memref<32768x2048xf32, #tpu.memory_space<hbm>> -> memref<8x2048xf32, #tpu.memory_space<hbm>>
    tpu.enqueue_dma source(%arg6 : memref<8x2048xf32, #tpu.memory_space<vmem>>) target(%dma_start3A_146 : memref<8x2048xf32, #tpu.memory_space<hbm>>) target_semaphore(%arg20 : memref<!tpu.dma_semaphore, #tpu.memory_space<semaphore_mem>>)
    %dma_wait3A_147 = arith.constant 0 : i32
    %dma_wait3A_148 = tpu.memref_slice %arg5[%dma_wait3A_147] : memref<1024xi32, #tpu.memory_space<vmem>> -> memref<8xi32, #tpu.memory_space<vmem>>
    %dma_wait3A_149 = arith.constant 0 : i32
    %dma_wait3A_150 = arith.constant 0 : i32
    %dma_wait3A_151 = tpu.memref_slice %arg2[%dma_wait3A_149, %dma_wait3A_150] : memref<8192x2048xf32, #tpu.memory_space<hbm>> -> memref<8192x2048xf32, #tpu.memory_space<hbm>>
    tpu.wait_indirect_dma semaphore(%arg14 : memref<!tpu.dma_semaphore, #tpu.memory_space<semaphore_mem>>) src(%dma_wait3A_151 : memref<8192x2048xf32, #tpu.memory_space<hbm>>) dst(%arg7 : memref<8x2048xf32, #tpu.memory_space<vmem>>)
    %add3A_152 = arith.constant 1016 : i32
    %add3A_153 = arith.addi %mul3A_2, %add3A_152 : i32
    %dma_start3A_154 = arith.constant 0 : i32
    %dma_start3A_155 = tpu.memref_slice %arg4[%add3A_153, %dma_start3A_154] : memref<32768x2048xf32, #tpu.memory_space<hbm>> -> memref<8x2048xf32, #tpu.memory_space<hbm>>
    %dma_start3A_156 = arith.constant 0 : i32
    %dma_start3A_157 = tpu.memref_slice %arg4[%add3A_153, %dma_start3A_156] : memref<32768x2048xf32, #tpu.memory_space<hbm>> -> memref<8x2048xf32, #tpu.memory_space<hbm>>
    tpu.enqueue_dma source(%arg7 : memref<8x2048xf32, #tpu.memory_space<vmem>>) target(%dma_start3A_157 : memref<8x2048xf32, #tpu.memory_space<hbm>>) target_semaphore(%arg21 : memref<!tpu.dma_semaphore, #tpu.memory_space<semaphore_mem>>)
    %dma_wait3A_158 = arith.constant 0 : i32
    %dma_wait3A_159 = tpu.memref_slice %arg4[%mul3A_2, %dma_wait3A_158] : memref<32768x2048xf32, #tpu.memory_space<hbm>> -> memref<8x2048xf32, #tpu.memory_space<hbm>>
    %dma_wait3A_160 = arith.constant 0 : i32
    %dma_wait3A_161 = tpu.memref_slice %arg4[%mul3A_2, %dma_wait3A_160] : memref<32768x2048xf32, #tpu.memory_space<hbm>> -> memref<8x2048xf32, #tpu.memory_space<hbm>>
    tpu.wait_dma2 semaphore(%arg20 : memref<!tpu.dma_semaphore, #tpu.memory_space<semaphore_mem>>) src(%arg6 : memref<8x2048xf32, #tpu.memory_space<vmem>>) dst(%dma_wait3A_161 : memref<8x2048xf32, #tpu.memory_space<hbm>>)
    %dma_wait3A_162 = arith.constant 0 : i32
    %dma_wait3A_163 = tpu.memref_slice %arg4[%mul3A_2, %dma_wait3A_162] : memref<32768x2048xf32, #tpu.memory_space<hbm>> -> memref<8x2048xf32, #tpu.memory_space<hbm>>
    %dma_wait3A_164 = arith.constant 0 : i32
    %dma_wait3A_165 = tpu.memref_slice %arg4[%mul3A_2, %dma_wait3A_164] : memref<32768x2048xf32, #tpu.memory_space<hbm>> -> memref<8x2048xf32, #tpu.memory_space<hbm>>
    tpu.wait_dma2 semaphore(%arg21 : memref<!tpu.dma_semaphore, #tpu.memory_space<semaphore_mem>>) src(%arg7 : memref<8x2048xf32, #tpu.memory_space<vmem>>) dst(%dma_wait3A_165 : memref<8x2048xf32, #tpu.memory_space<hbm>>)
    %dma_wait3A_166 = arith.constant 0 : i32
    %dma_wait3A_167 = tpu.memref_slice %arg4[%mul3A_2, %dma_wait3A_166] : memref<32768x2048xf32, #tpu.memory_space<hbm>> -> memref<8x2048xf32, #tpu.memory_space<hbm>>
    %dma_wait3A_168 = arith.constant 0 : i32
    %dma_wait3A_169 = tpu.memref_slice %arg4[%mul3A_2, %dma_wait3A_168] : memref<32768x2048xf32, #tpu.memory_space<hbm>> -> memref<8x2048xf32, #tpu.memory_space<hbm>>
    tpu.wait_dma2 semaphore(%arg22 : memref<!tpu.dma_semaphore, #tpu.memory_space<semaphore_mem>>) src(%arg8 : memref<8x2048xf32, #tpu.memory_space<vmem>>) dst(%dma_wait3A_169 : memref<8x2048xf32, #tpu.memory_space<hbm>>)
    %dma_wait3A_170 = arith.constant 0 : i32
    %dma_wait3A_171 = tpu.memref_slice %arg4[%mul3A_2, %dma_wait3A_170] : memref<32768x2048xf32, #tpu.memory_space<hbm>> -> memref<8x2048xf32, #tpu.memory_space<hbm>>
    %dma_wait3A_172 = arith.constant 0 : i32
    %dma_wait3A_173 = tpu.memref_slice %arg4[%mul3A_2, %dma_wait3A_172] : memref<32768x2048xf32, #tpu.memory_space<hbm>> -> memref<8x2048xf32, #tpu.memory_space<hbm>>
    tpu.wait_dma2 semaphore(%arg23 : memref<!tpu.dma_semaphore, #tpu.memory_space<semaphore_mem>>) src(%arg9 : memref<8x2048xf32, #tpu.memory_space<vmem>>) dst(%dma_wait3A_173 : memref<8x2048xf32, #tpu.memory_space<hbm>>)
    %dma_wait3A_174 = arith.constant 0 : i32
    %dma_wait3A_175 = tpu.memref_slice %arg4[%mul3A_2, %dma_wait3A_174] : memref<32768x2048xf32, #tpu.memory_space<hbm>> -> memref<8x2048xf32, #tpu.memory_space<hbm>>
    %dma_wait3A_176 = arith.constant 0 : i32
    %dma_wait3A_177 = tpu.memref_slice %arg4[%mul3A_2, %dma_wait3A_176] : memref<32768x2048xf32, #tpu.memory_space<hbm>> -> memref<8x2048xf32, #tpu.memory_space<hbm>>
    tpu.wait_dma2 semaphore(%arg24 : memref<!tpu.dma_semaphore, #tpu.memory_space<semaphore_mem>>) src(%arg10 : memref<8x2048xf32, #tpu.memory_space<vmem>>) dst(%dma_wait3A_177 : memref<8x2048xf32, #tpu.memory_space<hbm>>)
    %dma_wait3A_178 = arith.constant 0 : i32
    %dma_wait3A_179 = tpu.memref_slice %arg4[%mul3A_2, %dma_wait3A_178] : memref<32768x2048xf32, #tpu.memory_space<hbm>> -> memref<8x2048xf32, #tpu.memory_space<hbm>>
    %dma_wait3A_180 = arith.constant 0 : i32
    %dma_wait3A_181 = tpu.memref_slice %arg4[%mul3A_2, %dma_wait3A_180] : memref<32768x2048xf32, #tpu.memory_space<hbm>> -> memref<8x2048xf32, #tpu.memory_space<hbm>>
    tpu.wait_dma2 semaphore(%arg25 : memref<!tpu.dma_semaphore, #tpu.memory_space<semaphore_mem>>) src(%arg11 : memref<8x2048xf32, #tpu.memory_space<vmem>>) dst(%dma_wait3A_181 : memref<8x2048xf32, #tpu.memory_space<hbm>>)
    %dma_wait3A_182 = arith.constant 0 : i32
    %dma_wait3A_183 = tpu.memref_slice %arg4[%mul3A_2, %dma_wait3A_182] : memref<32768x2048xf32, #tpu.memory_space<hbm>> -> memref<8x2048xf32, #tpu.memory_space<hbm>>
    %dma_wait3A_184 = arith.constant 0 : i32
    %dma_wait3A_185 = tpu.memref_slice %arg4[%mul3A_2, %dma_wait3A_184] : memref<32768x2048xf32, #tpu.memory_space<hbm>> -> memref<8x2048xf32, #tpu.memory_space<hbm>>
    tpu.wait_dma2 semaphore(%arg26 : memref<!tpu.dma_semaphore, #tpu.memory_space<semaphore_mem>>) src(%arg12 : memref<8x2048xf32, #tpu.memory_space<vmem>>) dst(%dma_wait3A_185 : memref<8x2048xf32, #tpu.memory_space<hbm>>)
    return
  }
}

</mosaic_0001>

<sc_bundles>
// kernel: _sc_gather.3.cloned.1.call-start
scs
__scs_entry_jumppad:
0x0: {  	(pc) =	sbr.rel $0x88, $3  }
0x1: {  	(tag) =	ssettag $0x0;
	lr =	simm.s32 $0x1  }
0x2: {  	[smem:$0x3F9F] =	sst lr;
	_ =	strace $0xD0000000  }
0x3: {  	_ = 	snop  }
0x4: {  	_ = 	snop  }
0x5: {  	_ = 	snop  }
0x6: {  	_ = 	snop  }
0x7: {  	_ = 	snop  }
__scs_overlays_trampoline_lowered:
0x8: {  	[smem:$0x3FAE] =	sst s0  }
0x9: {  	[smem:$0x3FAF] =	sst s1  }
0xa: {  	[smem:$0x3FB0] =	sst s2  }
0xb: {  	[smem:$0x3FB1] =	sst s3  }
0xc: {  	[smem:$0x3FB2] =	sst s4  }
0xd: {  	[smem:$0x3FB3] =	sst s5  }
0xe: {  	[smem:$0x3FB4] =	sst s6  }
0xf: {  	[smem:$0x3FB5] =	sst s7  }
0x10: {  	[smem:$0x3FB6] =	sst s8  }
0x11: {  	[smem:$0x3FB7] =	sst s9;
	s0 =	simm.s32 @!p0 $0x0  }
0x12: {  	s1 =	sld [smem:$0x3F9D];
	s0 =	simm.s32 @p0 $0x1  }
0x13: {  	[smem:$0x3FB8] =	sst s0;
	s0 =	simm.s32 @!p1 $0x0  }
0x14: {  	s2 =	sld [smem:$0x3F9C];
	s0 =	simm.s32 @p1 $0x1  }
0x15: {  	[smem:$0x3FB9] =	sst s0;
	s0 =	simm.s32 @!p2 $0x0  }
0x16: {  	s3 =	sld [smem:$0x3FDB];
	s0 =	simm.s32 @p2 $0x1  }
0x17: {  	s4 =	simm.s32 $0x1BF5;
	[smem:$0x3FBB] =	sst s0  }
0x18: {  	s0 =	sld [smem:$0x3F9E];
	_ =	swait.ge [sflag:s4], $0x0  }
0x19: {  	s7 =	sld [smem:$0x3F9F]  }
0x1a: {  	s8 =	sadd.s32 $0xFFFFE003, lr  }
0x1b: {  	s9 =	sadd.s32 $0xFFFFFEF7, lr;
	s5 =	simm.s32 $0xFFFFFFFF;
	p2 =	slt.u32 s8, $0xFFFFF086  }
0x1c: {  	p1 =	slt.u32 s9, $0xF7A;
	s5 =	simm.s32 @!p2 $0x0  }
0x1d: {  	s5 =	simm.s32 @p1 $0x1;
	p0 =	seq.s32 s7, s2  }
0x1e: {  	s7 =	smul.u32 @!p0 $0xF7A, s2;
	p2 =	seq.s32 @!p0 s5, $0x0  }
0x1f: {  	s9 =	smul.u32 $0xF7A, s1;
	s8 =	simm.s32 @!p0 $0x1BF5;
	p2 =	por !p2, p0  }
0x20: {  	[sflag:s8] =	ssyncset.s32 @!p0 $0xFFFFF086;
	s6 =	sadd.s32 @!p0 s3, s7;
	s7 =	simm.s32 @!p0 $0x108  }
0x21: {  	s3 =	sadd.s32 s3, s9;
	s6 =	sadd.s32 @!p0 $0x88, s6;
	s7 =	simm.s32 @p2 $0x1082  }
0x22: {  	[simem:s7], [sflag:s8] =	dma.local @!p0 [hbm:s6], $0xF7A  }
0x23: {  	s9 =	sor.u32 $0xD0000000, s2;
	s6 =	simm.s32 $0x108;
	_ =	swait.ge @!p0 [sflag:s8], $0x0  }
0x24: {  	s3 =	sadd.s32 $0x88, s3;
	s6 =	simm.s32 @!p1 $0x1082;
	[sflag:s4] =	ssyncset.s32 $0xFFFFF086  }
0x25: {  	[simem:s6], [sflag:s4] =	dma.local [hbm:s3], $0xF7A  }
0x26: {  	[smem:$0x3F9F] =	sst s1;
	(tag) =	ssettag s2;
	_ =	strace s9  }
0x27: {  	s1 =	sld [smem:$0x3FAF]  }
0x28: {  	s2 =	sld [smem:$0x3FB0]  }
0x29: {  	s4 =	sld [smem:$0x3FB2]  }
0x2a: {  	p0 =	seq.s32 s5, $0x0;
	s5 =	sld [smem:$0x3FB3]  }
0x2b: {  	s6 =	sld [smem:$0x3FB4]  }
0x2c: {  	s7 =	sld [smem:$0x3FB5]  }
0x2d: {  	s3 =	simm.s32 $0x108;
	s8 =	sld [smem:$0x3FB6]  }
0x2e: {  	s3 =	simm.s32 @!p0 $0x1082;
	s9 =	sld [smem:$0x3FB7]  }
0x2f: {  	lr =	sadd.s32 s0, s3;
	s0 =	sld [smem:$0x3FAE]  }
0x30: {  	s3 =	sld [smem:$0x3FB1]  }
0x31: {  	[smem:$0x3FBA] =	sst s10  }
0x32: {  	s10 =	sld [smem:$0x3FB8];
	_ =	sdelay $0x3  }
0x33: {  	p0 =	seq.s32 s10, $0x1;
	s10 =	sld [smem:$0x3FBA];
	_ =	sdelay $0x3  }
0x34: {  	[smem:$0x3FBA] =	sst s10  }
0x35: {  	s10 =	sld [smem:$0x3FB9];
	_ =	sdelay $0x3  }
0x36: {  	p1 =	seq.s32 s10, $0x1;
	s10 =	sld [smem:$0x3FBA];
	_ =	sdelay $0x3  }
0x37: {  	[smem:$0x3FBA] =	sst s10  }
0x38: {  	s10 =	sld [smem:$0x3FBB]  }
0x39: {  	_ = 	snop;
	(pc) =	sbr.ind lr, $3  }
0x3a: {  	_ = 	snop  }
0x3b: {  	_ = 	snop  }
0x3c: {  	p2 =	seq.s32 s10, $0x1;
	s10 =	sld [smem:$0x3FBA]  }
0x3d: {  	_ =	shalt  }
0x3e: {  	_ =	shalt  }
0x3f: {  	_ =	shalt  }
0x40: {  	_ =	shalt  }
0x41: {  	_ =	shalt  }
0x42: {  	_ =	shalt  }
0x43: {  	_ =	shalt  }
0x44: {  	_ =	shalt  }
0x45: {  	_ =	shalt  }
0x46: {  	_ =	shalt  }
0x47: {  	_ =	shalt  }
0x48: {  	_ =	shalt  }
0x49: {  	_ =	shalt  }
0x4a: {  	_ =	shalt  }
0x4b: {  	_ =	shalt  }
0x4c: {  	_ =	shalt  }
0x4d: {  	_ =	shalt  }
0x4e: {  	_ =	shalt  }
0x4f: {  	_ =	shalt  }
0x50: {  	_ =	shalt  }
0x51: {  	_ =	shalt  }
0x52: {  	_ =	shalt  }
0x53: {  	_ =	shalt  }
0x54: {  	_ =	shalt  }
0x55: {  	_ =	shalt  }
0x56: {  	_ =	shalt  }
0x57: {  	_ =	shalt  }
0x58: {  	_ =	shalt  }
0x59: {  	_ =	shalt  }
0x5a: {  	_ =	shalt  }
0x5b: {  	_ =	shalt  }
0x5c: {  	_ =	shalt  }
0x5d: {  	_ =	shalt  }
0x5e: {  	_ =	shalt  }
0x5f: {  	_ =	shalt  }
0x60: {  	_ =	shalt  }
0x61: {  	_ =	shalt  }
0x62: {  	_ =	shalt  }
0x63: {  	_ =	shalt  }
0x64: {  	_ =	shalt  }
0x65: {  	_ =	shalt  }
0x66: {  	_ =	shalt  }
0x67: {  	_ =	shalt  }
0x68: {  	_ =	shalt  }
0x69: {  	_ =	shalt  }
0x6a: {  	_ =	shalt  }
0x6b: {  	_ =	shalt  }
0x6c: {  	_ =	shalt  }
0x6d: {  	_ =	shalt  }
0x6e: {  	_ =	shalt  }
0x6f: {  	_ =	shalt  }
0x70: {  	_ =	shalt  }
0x71: {  	_ =	shalt  }
0x72: {  	_ =	shalt  }
0x73: {  	_ =	shalt  }
0x74: {  	_ =	shalt  }
0x75: {  	_ =	shalt  }
0x76: {  	_ =	shalt  }
0x77: {  	_ =	shalt  }
0x78: {  	_ =	shalt  }
0x79: {  	_ =	shalt  }
0x7a: {  	_ =	shalt  }
0x7b: {  	_ =	shalt  }
0x7c: {  	_ =	shalt  }
0x7d: {  	_ =	shalt  }
0x7e: {  	_ =	shalt  }
0x7f: {  	_ =	shalt  }
0x80: {  	_ =	shalt  }
0x81: {  	_ =	shalt  }
0x82: {  	_ =	shalt  }
0x83: {  	_ =	shalt  }
0x84: {  	_ =	shalt  }
0x85: {  	_ =	shalt  }
0x86: {  	_ =	shalt  }
0x87: {  	_ =	shalt  }
.Lfunc_end0:
.L_simem_size_0:
called_computation_lowered:
.L_overlay_start_0:
0x88: {  	s2 =	sld [smem:$0x3FD9]  }
0x89: {  	s3 =	sld [smem:$0x3FFE];
	_ =	sdelay $0x1  }
0x8a: {  	s1 =	srdreg.scid  }
0x8b: {  	s0 =	sand.u32 $0x1, s1  }
0x8c: {  	s18 =	sshll.u32 s0, $0xA;
	s2 =	sadd.s32 s3, s2  }
0x8d: {  	s2 =	sadd.s32 s2, s18  }
0x8e: {  	[smem:$0x3FC6] =	sst s2  }
0x8f: {  	_ = 	snop  }
0x90: {  	s2 =	sld [smem:$0x3FC9]  }
0x91: {  	s19 =	sld [smem:$0x3FC8]  }
0x92: {  	s4 =	sld [smem:$0x3FD0];
	(tm) =	ssettm $0x1  }
0x93: {  	s5 =	sld [smem:$0x3FFB];
	_ =	sdelay $0x3  }
0x94: {  	_ =	strace s5  }
0x95: {  	s5 =	sld [smem:$0x3FFC];
	_ =	sdelay $0x3  }
0x96: {  	_ =	strace s5  }
0x97: {  	s5 =	sld [smem:$0x3FFD];
	_ =	sdelay $0x3  }
0x98: {  	_ =	strace s5  }
0x99: {  	_ =	strace $0x8FFFFFFF  }
0x9a: {  	s20 =	sld [smem:$0x3FDB];
	_ =	sdelay $0x1  }
0x9b: {  	s6 =	simm.s32 $_scs_section_size  }
0x9c: {  	s7 =	simm.s32 $_size__tile_overlayer_lowered;
	s8 =	simm.s32 $_tile_overlayer_lowered  }
0x9d: {  	s23 =	simm.s32 $0x1BFF;
	s22 =	sshll.u32 s8, $0x1;
	s5 =	sadd.s32 s6, s20  }
0x9e: {  	s9 =	simm.s32 $0x0;
	s21 =	sshll.u32 s7, $0x1;
	s7 =	sadd.s32 s22, s5  }
0x9f: {  	[timem:s9], [sflag:s23] =	dma.local [hbm:s7], s21  }
0xa0: {  	_ =	swait.ge [sflag:s23], s21  }
0xa1: {  	s6 =	ssub.s32 $0x0, s21;
	[sflag:s23] =	ssyncset.done $0x0  }
0xa2: {  	[sflag:s23] =	ssyncadd.s32 s6;
	_ =	sdelay $0x1  }
0xa3: {  	s24 =	simm.s32 $0x1B8B  }
0xa4: {  	_ =	swait.ge [sflag:s24], $0x1  }
0xa5: {  	[sflag:s24] =	ssyncset.done $0x0  }
0xa6: {  	s25 =	simm.s32 $0x1B8E;
	[sflag:s24] =	ssyncadd.s32 $0xFFFFFFFF  }
0xa7: {  	s26 =	simm.s32 $execute0_lowered;
	[smem:$0x3FD2] =	sst s25  }
0xa8: {  	s6 =	sshll.u32 s26, $0x1;
	_ =	strace $0x80000046;
	[dreg:$0x1] =	wrdreg $0xFFFFFFFF  }
0xa9: {  	s28 =	simm.s32 $_size_execute0_lowered;
	s5 =	sadd.s32 s5, s6;
	[dreg:$0x0] =	wrdreg $0x0  }
0xaa: {  	s6 =	sshll.u32 s28, $0x1;
	[dreg:$0x2] =	wrdreg s5  }
0xab: {  	[dreg:$0x3] =	wrdreg s6  }
0xac: {  	[dreg:$0x4] =	wrdreg $0xC0  }
0xad: {  	_ =	task [dreg:s9], $0x5FFFF  }
0xae: {  	[dreg:$0x1] =	wrdreg $0xFFFFFFFF  }
0xaf: {  	[dreg:$0x0] =	wrdreg $0x60  }
0xb0: {  	[dreg:$0x2] =	wrdreg s2  }
0xb1: {  	[dreg:$0x3] =	wrdreg s19  }
0xb2: {  	[dreg:$0x4] =	wrdreg s4  }
0xb3: {  	[dreg:$0x5] =	wrdreg $0x9  }
0xb4: {  	_ =	task.clear_ibuf [dreg:s9], $0x6FFFF;
	_ =	strace $0x90000046  }
0xb5: {  	s29 =	simm.s32 $0x9;
	_ =	strace $0x80000048  }
0xb6: {  	_ =	swait.ge [sflag:s29], $0x1  }
0xb7: {  	[sflag:s29] =	ssyncadd.s32 $0xFFFFFFFF  }
0xb8: {  	_ =	strace $0x90000048  }
0xb9: {  	_ =	sfence  }
0xba: {  	s30 =	sld [smem:$0x0];
	_ =	sdelay $0x2  }
0xbb: {  	s31 =	sshll.u32 s1, $0xD;
	s1 =	sshrl.u32 s1, $0x2  }
0xbc: {  	s3 =	sand.u32 $0x4000, s31;
	s1 =	sadd.s32 s1, s30  }
0xbd: {  	s0 =	sor.u32 s3, s0;
	s1 =	sshll.u32 s1, $0x11  }
0xbe: {  	s0 =	sor.u32 s1, s0  }
0xbf: {  	s0 =	sadd.s32 $0x8F2B, s0  }
0xc0: {  	[sflag:s0] =	ssyncadd.remote.s32 $0x1  }
0xc1: {  	_ =	sfence.sel $0xFFFF  }
0xc2: {  	[dreg:$0x0] =	wrdreg $0xFFFFFFFF;
	(pc) =	sbr.abs _section_cstart, $3  }
0xc3: {  	[dreg:$0x1] =	wrdreg $0xFFFFFFFF  }
0xc4: {  	_ =	task.clear_ibuf [dreg:s9], $0x2FFFF;
	_ =	strace $0x9FFFFFFF  }
0xc5: {  	(tm) =	ssettm $0x7FFFFFFF  }
tec
execute0_lowered:
.L_overlay_start_1:
0x0: {  	(tag) =	ssettag $0x1  }
0x1: {  	s2 =	rddreg [dreg:$0x0]  }
0x2: {  	s0 =	rddreg [dreg:$0x1];
	s1 =	srdreg.scid  }
0x3: {  	s4 =	rddreg [dreg:$0x2];
	s13 =	stileid.u32;
	s3 =	simm.s32 $0x0  }
0x4: {  	s31 =	simm.s32 $0x9400;
	s30 =	simm.s32 $0x10400;
	s15 =	simm.s32 $0x14C00  }
0x5: {  	s29 =	simm.s32 $0x18400;
	s16 =	simm.s32 $0x18C00;
	s28 =	simm.s32 $0x6  }
0x6: {  	s1 =	sand.u32 $0x1, s1;
	s5 =	sshll.u32 s13, $0xB;
	[smem:$0x7FF] =	sst s3  }
0x7: {  	s8 =	sadd.s32 $0x400, s2;
	s9 =	sadd.s32 $0x500, s2;
	s6 =	sshll.u32 s1, $0xA  }
0x8: {  	s11 =	sadd.s32 $0x700, s2;
	s7 =	ssub.s32 $0x2, s1;
	s10 =	sor.u32 s6, s5  }
0x9: {  	_ =	strace $0x80000047;
	s17 =	sshrl.u32 s7, $0x1;
	s6 =	sshrl.u32 s10, $0x3  }
0xa: {  	s12 =	ssub.s32 s7, s17;
	s18 =	sshll.u32 s10, $0x8;
	s0 =	sadd.s32 s0, s6  }
0xb: {  	s26 =	smax.u32 s12, $0x1;
	[dreg:$0x5] =	wrdreg s0;
	s0 =	sadd.s32 s18, s4  }
0xc: {  	s13 =	sshll.u32 s13, $0x13;
	[dreg:$0xf] =	wrdreg s26;
	s14 =	sadd.s32 $0x3B800, s0  }
0xd: {  	s1 =	sshll.u32 s1, $0x12;
	s19 =	sadd.s32 $0x3C000, s0;
	[dreg:$0x6] =	wrdreg s14  }
0xe: {  	s5 =	sadd.s32 $0x100, s2;
	s20 =	sadd.s32 $0x3C800, s0;
	[dreg:$0x7] =	wrdreg s19  }
0xf: {  	s7 =	sadd.s32 $0x300, s2;
	s21 =	sadd.s32 $0x3D000, s0;
	[dreg:$0x8] =	wrdreg s20  }
0x10: {  	s10 =	sadd.s32 $0x600, s2;
	s22 =	sadd.s32 $0x3D800, s0;
	[dreg:$0x9] =	wrdreg s21  }
0x11: {  	s17 =	simm.s32 $0xC400;
	s23 =	sadd.s32 $0x3E000, s0;
	[dreg:$0xa] =	wrdreg s22  }
0x12: {  	s6 =	sadd.s32 $0x200, s2;
	s24 =	sadd.s32 $0x3E800, s0;
	[dreg:$0xb] =	wrdreg s23  }
0x13: {  	s12 =	simm.s32 $0xA400;
	s25 =	sadd.s32 $0x3F000, s0;
	[dreg:$0xc] =	wrdreg s24  }
0x14: {  	s4 =	sadd.s32 s13, s4;
	s0 =	sadd.s32 $0x3F800, s0;
	[dreg:$0xd] =	wrdreg s25  }
0x15: {  	s26 =	simm.s32 $0x8400;
	s1 =	sadd.s32 s1, s4;
	[dreg:$0xe] =	wrdreg s0  }
0x16: {  	s13 =	simm.s32 $0x8C00;
	s18 =	simm.s32 $0x5;
	[dreg:$0x4] =	wrdreg s1  }
0x17: {  	v0 =	vlaneseq.u32;
	s23 =	simm.s32 $0x9C00;
	s14 =	simm.s32 $0x10C00;
	s19 =	simm.s32 $0x14400  }
0x18: {  	v1 =	vshrl.u32 v0, $0x3;
	s1 =	simm.s32 $0x0;
	s24 =	simm.s32 $0x4;
	s25 =	simm.s32 $0x2  }
0x19: {  	vm0 =	vmmov $0xffff;
	v0 =	vand.u32 $0x7, v0;
	v1 =	vmul.u32 $0x8, v1;
	s21 =	simm.s32 $0x8;
	s20 =	simm.s32 $0x9;
	s22 =	simm.s32 $0x3  }
.LBB2_1:
0x1a: {  	[dreg:$0x10] =	wrdreg s1  }
0x1b: {  	s0 =	rddreg [dreg:$0x5];
	s1 =	simm.s32 $0xF  }
0x1c: {  	[tilespmem:s3], [sflag:$0xF] =	stream.linear.gather [hbm4b:s0+s3], $0x400, $0x38;
	[tilespmem:$0x1C400] =	vst v63  }
0x1d: {  	_ =	swait.ge [sflag:s1], $0x400  }
0x1e: {  	[sflag:s1] =	ssyncset.done $0x0  }
0x1f: {  	[sflag:s1] =	ssyncadd.s32 $0xFFFFFC00  }
0x20: {  	v2 =	vld.msk [tilespmem:$0x0], $0xff;
	_ =	sdelay $0x4  }
0x21: {  	v3 =	vshll.u32 v2, $0x4  }
0x22: {  	v2 =	vand.u32 $0x7, v2;
	v3 =	vand.u32 $0xFFFFFF80, v3  }
0x23: {  	v2 =	vor.u32 v2, v3  }
0x24: {  	v2 =	vperm.xlane v2, v0;
	_ =	sdelay $0x1  }
0x25: {  	v2 =	vadd.s32 v1, v2;
	_ =	sdelay $0x3  }
0x26: {  	s4 =	simm.s32 $0x400  }
0x27: {  	[tilespmem:s4], [sflag:$0x1] =	stream.indirect_vreg.gather [hbm4b:s2+s3], $0x80, v2, vm0, $0xb8;
	[tilespmem:$0x1C400] =	vst v63  }
0x28: {  	s1 =	simm.s32 $0xC00  }
0x29: {  	[tilespmem:s1], [sflag:$0x1] =	stream.indirect_vreg.gather [hbm4b:s5+s3], $0x80, v2, vm0, $0xb8;
	[tilespmem:$0x1C400] =	vst v63  }
0x2a: {  	s4 =	simm.s32 $0x1400  }
0x2b: {  	[tilespmem:s4], [sflag:$0x1] =	stream.indirect_vreg.gather [hbm4b:s6+s3], $0x80, v2, vm0, $0xb8;
	[tilespmem:$0x1C400] =	vst v63  }
0x2c: {  	s1 =	simm.s32 $0x1C00  }
0x2d: {  	[tilespmem:s1], [sflag:$0x1] =	stream.indirect_vreg.gather [hbm4b:s7+s3], $0x80, v2, vm0, $0xb8;
	[tilespmem:$0x1C400] =	vst v63  }
0x2e: {  	s4 =	simm.s32 $0x2400  }
0x2f: {  	[tilespmem:s4], [sflag:$0x1] =	stream.indirect_vreg.gather [hbm4b:s8+s3], $0x80, v2, vm0, $0xb8;
	[tilespmem:$0x1C400] =	vst v63  }
0x30: {  	s1 =	simm.s32 $0x2C00  }
0x31: {  	[tilespmem:s1], [sflag:$0x1] =	stream.indirect_vreg.gather [hbm4b:s9+s3], $0x80, v2, vm0, $0xb8;
	[tilespmem:$0x1C400] =	vst v63  }
0x32: {  	s4 =	simm.s32 $0x3400  }
0x33: {  	[tilespmem:s4], [sflag:$0x1] =	stream.indirect_vreg.gather [hbm4b:s10+s3], $0x80, v2, vm0, $0xb8;
	[tilespmem:$0x1C400] =	vst v63  }
0x34: {  	s1 =	simm.s32 $0x3C00  }
0x35: {  	[tilespmem:s1], [sflag:$0x1] =	stream.indirect_vreg.gather [hbm4b:s11+s3], $0x80, v2, vm0, $0xb8;
	[tilespmem:$0x1C400] =	vst v63  }
0x36: {  	v2 =	vld.msk [tilespmem:$0x8], $0xff;
	_ =	sdelay $0x4  }
0x37: {  	v3 =	vshll.u32 v2, $0x4  }
0x38: {  	v2 =	vand.u32 $0x7, v2;
	v3 =	vand.u32 $0xFFFFFF80, v3  }
0x39: {  	v2 =	vor.u32 v2, v3  }
0x3a: {  	v2 =	vperm.xlane v2, v0;
	_ =	sdelay $0x1  }
0x3b: {  	v2 =	vadd.s32 v1, v2;
	_ =	sdelay $0x3  }
0x3c: {  	s4 =	simm.s32 $0x4400  }
0x3d: {  	[tilespmem:s4], [sflag:$0x2] =	stream.indirect_vreg.gather [hbm4b:s2+s3], $0x80, v2, vm0, $0xb8;
	[tilespmem:$0x1C400] =	vst v63  }
0x3e: {  	s1 =	simm.s32 $0x4C00  }
0x3f: {  	[tilespmem:s1], [sflag:$0x2] =	stream.indirect_vreg.gather [hbm4b:s5+s3], $0x80, v2, vm0, $0xb8;
	[tilespmem:$0x1C400] =	vst v63  }
0x40: {  	s4 =	simm.s32 $0x5400  }
0x41: {  	[tilespmem:s4], [sflag:$0x2] =	stream.indirect_vreg.gather [hbm4b:s6+s3], $0x80, v2, vm0, $0xb8;
	[tilespmem:$0x1C400] =	vst v63  }
0x42: {  	s1 =	simm.s32 $0x5C00  }
0x43: {  	[tilespmem:s1], [sflag:$0x2] =	stream.indirect_vreg.gather [hbm4b:s7+s3], $0x80, v2, vm0, $0xb8;
	[tilespmem:$0x1C400] =	vst v63  }
0x44: {  	s4 =	simm.s32 $0x6400  }
0x45: {  	[tilespmem:s4], [sflag:$0x2] =	stream.indirect_vreg.gather [hbm4b:s8+s3], $0x80, v2, vm0, $0xb8;
	[tilespmem:$0x1C400] =	vst v63  }
0x46: {  	s1 =	simm.s32 $0x6C00  }
0x47: {  	[tilespmem:s1], [sflag:$0x2] =	stream.indirect_vreg.gather [hbm4b:s9+s3], $0x80, v2, vm0, $0xb8;
	[tilespmem:$0x1C400] =	vst v63  }
0x48: {  	s4 =	simm.s32 $0x7400  }
0x49: {  	[tilespmem:s4], [sflag:$0x2] =	stream.indirect_vreg.gather [hbm4b:s10+s3], $0x80, v2, vm0, $0xb8;
	[tilespmem:$0x1C400] =	vst v63  }
0x4a: {  	s1 =	simm.s32 $0x7C00  }
0x4b: {  	[tilespmem:s1], [sflag:$0x2] =	stream.indirect_vreg.gather [hbm4b:s11+s3], $0x80, v2, vm0, $0xb8;
	[tilespmem:$0x1C400] =	vst v63  }
0x4c: {  	v2 =	vld.msk [tilespmem:$0x10], $0xff;
	_ =	sdelay $0x4  }
0x4d: {  	v3 =	vshll.u32 v2, $0x4  }
0x4e: {  	v2 =	vand.u32 $0x7, v2;
	v3 =	vand.u32 $0xFFFFFF80, v3  }
0x4f: {  	v2 =	vor.u32 v2, v3  }
0x50: {  	v2 =	vperm.xlane v2, v0;
	_ =	sdelay $0x1  }
0x51: {  	v2 =	vadd.s32 v1, v2;
	_ =	sdelay $0x4  }
0x52: {  	[tilespmem:s26], [sflag:$0x3] =	stream.indirect_vreg.gather [hbm4b:s2+s3], $0x80, v2, vm0, $0xb8;
	[tilespmem:$0x1C400] =	vst v63  }
0x53: {  	_ = 	snop  }
0x54: {  	[tilespmem:s13], [sflag:$0x3] =	stream.indirect_vreg.gather [hbm4b:s5+s3], $0x80, v2, vm0, $0xb8;
	[tilespmem:$0x1C400] =	vst v63  }
0x55: {  	_ = 	snop  }
0x56: {  	[tilespmem:s31], [sflag:$0x3] =	stream.indirect_vreg.gather [hbm4b:s6+s3], $0x80, v2, vm0, $0xb8;
	[tilespmem:$0x1C400] =	vst v63  }
0x57: {  	_ = 	snop  }
0x58: {  	[tilespmem:s23], [sflag:$0x3] =	stream.indirect_vreg.gather [hbm4b:s7+s3], $0x80, v2, vm0, $0xb8;
	[tilespmem:$0x1C400] =	vst v63  }
0x59: {  	_ = 	snop  }
0x5a: {  	[tilespmem:s12], [sflag:$0x3] =	stream.indirect_vreg.gather [hbm4b:s8+s3], $0x80, v2, vm0, $0xb8;
	[tilespmem:$0x1C400] =	vst v63  }
0x5b: {  	s4 =	simm.s32 $0xAC00  }
0x5c: {  	[tilespmem:s4], [sflag:$0x3] =	stream.indirect_vreg.gather [hbm4b:s9+s3], $0x80, v2, vm0, $0xb8;
	[tilespmem:$0x1C400] =	vst v63  }
0x5d: {  	s12 =	simm.s32 $0xB400  }
0x5e: {  	[tilespmem:s12], [sflag:$0x3] =	stream.indirect_vreg.gather [hbm4b:s10+s3], $0x80, v2, vm0, $0xb8;
	[tilespmem:$0x1C400] =	vst v63  }
0x5f: {  	s13 =	simm.s32 $0xBC00  }
0x60: {  	[tilespmem:s13], [sflag:$0x3] =	stream.indirect_vreg.gather [hbm4b:s11+s3], $0x80, v2, vm0, $0xb8;
	[tilespmem:$0x1C400] =	vst v63  }
0x61: {  	v2 =	vld.msk [tilespmem:$0x18], $0xff;
	_ =	sdelay $0x4  }
0x62: {  	v3 =	vshll.u32 v2, $0x4  }
0x63: {  	v2 =	vand.u32 $0x7, v2;
	v3 =	vand.u32 $0xFFFFFF80, v3  }
0x64: {  	v2 =	vor.u32 v2, v3  }
0x65: {  	v2 =	vperm.xlane v2, v0;
	_ =	sdelay $0x1  }
0x66: {  	v2 =	vadd.s32 v1, v2;
	_ =	sdelay $0x4  }
0x67: {  	[tilespmem:s17], [sflag:$0x4] =	stream.indirect_vreg.gather [hbm4b:s2+s3], $0x80, v2, vm0, $0xb8;
	[tilespmem:$0x1C400] =	vst v63  }
0x68: {  	s23 =	simm.s32 $0xCC00  }
0x69: {  	[tilespmem:s23], [sflag:$0x4] =	stream.indirect_vreg.gather [hbm4b:s5+s3], $0x80, v2, vm0, $0xb8;
	[tilespmem:$0x1C400] =	vst v63  }
0x6a: {  	s26 =	simm.s32 $0xD400  }
0x6b: {  	[tilespmem:s26], [sflag:$0x4] =	stream.indirect_vreg.gather [hbm4b:s6+s3], $0x80, v2, vm0, $0xb8;
	[tilespmem:$0x1C400] =	vst v63  }
0x6c: {  	s31 =	simm.s32 $0xDC00  }
0x6d: {  	[tilespmem:s31], [sflag:$0x4] =	stream.indirect_vreg.gather [hbm4b:s7+s3], $0x80, v2, vm0, $0xb8;
	[tilespmem:$0x1C400] =	vst v63  }
0x6e: {  	s1 =	simm.s32 $0xE400  }
0x6f: {  	[tilespmem:s1], [sflag:$0x4] =	stream.indirect_vreg.gather [hbm4b:s8+s3], $0x80, v2, vm0, $0xb8;
	[tilespmem:$0x1C400] =	vst v63  }
0x70: {  	s4 =	simm.s32 $0xEC00  }
0x71: {  	[tilespmem:s4], [sflag:$0x4] =	stream.indirect_vreg.gather [hbm4b:s9+s3], $0x80, v2, vm0, $0xb8;
	[tilespmem:$0x1C400] =	vst v63  }
0x72: {  	s12 =	simm.s32 $0xF400  }
0x73: {  	[tilespmem:s12], [sflag:$0x4] =	stream.indirect_vreg.gather [hbm4b:s10+s3], $0x80, v2, vm0, $0xb8;
	[tilespmem:$0x1C400] =	vst v63  }
0x74: {  	s13 =	simm.s32 $0xFC00  }
0x75: {  	[tilespmem:s13], [sflag:$0x4] =	stream.indirect_vreg.gather [hbm4b:s11+s3], $0x80, v2, vm0, $0xb8;
	[tilespmem:$0x1C400] =	vst v63  }
0x76: {  	v2 =	vld.msk [tilespmem:$0x20], $0xff;
	_ =	sdelay $0x4  }
0x77: {  	v3 =	vshll.u32 v2, $0x4  }
0x78: {  	v2 =	vand.u32 $0x7, v2;
	v3 =	vand.u32 $0xFFFFFF80, v3  }
0x79: {  	v2 =	vor.u32 v2, v3  }
0x7a: {  	v2 =	vperm.xlane v2, v0;
	_ =	sdelay $0x1  }
0x7b: {  	v2 =	vadd.s32 v1, v2;
	_ =	sdelay $0x4  }
0x7c: {  	[tilespmem:s30], [sflag:$0x5] =	stream.indirect_vreg.gather [hbm4b:s2+s3], $0x80, v2, vm0, $0xb8;
	[tilespmem:$0x1C400] =	vst v63  }
0x7d: {  	_ = 	snop  }
0x7e: {  	[tilespmem:s14], [sflag:$0x5] =	stream.indirect_vreg.gather [hbm4b:s5+s3], $0x80, v2, vm0, $0xb8;
	[tilespmem:$0x1C400] =	vst v63  }
0x7f: {  	s17 =	simm.s32 $0x11400  }
0x80: {  	[tilespmem:s17], [sflag:$0x5] =	stream.indirect_vreg.gather [hbm4b:s6+s3], $0x80, v2, vm0, $0xb8;
	[tilespmem:$0x1C400] =	vst v63  }
0x81: {  	s23 =	simm.s32 $0x11C00  }
0x82: {  	[tilespmem:s23], [sflag:$0x5] =	stream.indirect_vreg.gather [hbm4b:s7+s3], $0x80, v2, vm0, $0xb8;
	[tilespmem:$0x1C400] =	vst v63  }
0x83: {  	s26 =	simm.s32 $0x12400  }
0x84: {  	[tilespmem:s26], [sflag:$0x5] =	stream.indirect_vreg.gather [hbm4b:s8+s3], $0x80, v2, vm0, $0xb8;
	[tilespmem:$0x1C400] =	vst v63  }
0x85: {  	s30 =	simm.s32 $0x12C00  }
0x86: {  	[tilespmem:s30], [sflag:$0x5] =	stream.indirect_vreg.gather [hbm4b:s9+s3], $0x80, v2, vm0, $0xb8;
	[tilespmem:$0x1C400] =	vst v63  }
0x87: {  	s31 =	simm.s32 $0x13400  }
0x88: {  	[tilespmem:s31], [sflag:$0x5] =	stream.indirect_vreg.gather [hbm4b:s10+s3], $0x80, v2, vm0, $0xb8;
	[tilespmem:$0x1C400] =	vst v63  }
0x89: {  	s1 =	simm.s32 $0x13C00  }
0x8a: {  	[tilespmem:s1], [sflag:$0x5] =	stream.indirect_vreg.gather [hbm4b:s11+s3], $0x80, v2, vm0, $0xb8;
	[tilespmem:$0x1C400] =	vst v63  }
0x8b: {  	v2 =	vld.msk [tilespmem:$0x28], $0xff;
	_ =	sdelay $0x4  }
0x8c: {  	v3 =	vshll.u32 v2, $0x4  }
0x8d: {  	v2 =	vand.u32 $0x7, v2;
	v3 =	vand.u32 $0xFFFFFF80, v3  }
0x8e: {  	v2 =	vor.u32 v2, v3  }
0x8f: {  	v2 =	vperm.xlane v2, v0;
	_ =	sdelay $0x1  }
0x90: {  	v2 =	vadd.s32 v1, v2;
	_ =	sdelay $0x4  }
0x91: {  	[tilespmem:s19], [sflag:$0x6] =	stream.indirect_vreg.gather [hbm4b:s2+s3], $0x80, v2, vm0, $0xb8;
	[tilespmem:$0x1C400] =	vst v63  }
0x92: {  	_ = 	snop  }
0x93: {  	[tilespmem:s15], [sflag:$0x6] =	stream.indirect_vreg.gather [hbm4b:s5+s3], $0x80, v2, vm0, $0xb8;
	[tilespmem:$0x1C400] =	vst v63  }
0x94: {  	s4 =	simm.s32 $0x15400  }
0x95: {  	[tilespmem:s4], [sflag:$0x6] =	stream.indirect_vreg.gather [hbm4b:s6+s3], $0x80, v2, vm0, $0xb8;
	[tilespmem:$0x1C400] =	vst v63  }
0x96: {  	s12 =	simm.s32 $0x15C00  }
0x97: {  	[tilespmem:s12], [sflag:$0x6] =	stream.indirect_vreg.gather [hbm4b:s7+s3], $0x80, v2, vm0, $0xb8;
	[tilespmem:$0x1C400] =	vst v63  }
0x98: {  	s13 =	simm.s32 $0x16400  }
0x99: {  	[tilespmem:s13], [sflag:$0x6] =	stream.indirect_vreg.gather [hbm4b:s8+s3], $0x80, v2, vm0, $0xb8;
	[tilespmem:$0x1C400] =	vst v63  }
0x9a: {  	s14 =	simm.s32 $0x16C00  }
0x9b: {  	[tilespmem:s14], [sflag:$0x6] =	stream.indirect_vreg.gather [hbm4b:s9+s3], $0x80, v2, vm0, $0xb8;
	[tilespmem:$0x1C400] =	vst v63  }
0x9c: {  	s15 =	simm.s32 $0x17400  }
0x9d: {  	[tilespmem:s15], [sflag:$0x6] =	stream.indirect_vreg.gather [hbm4b:s10+s3], $0x80, v2, vm0, $0xb8;
	[tilespmem:$0x1C400] =	vst v63  }
0x9e: {  	s17 =	simm.s32 $0x17C00  }
0x9f: {  	[tilespmem:s17], [sflag:$0x6] =	stream.indirect_vreg.gather [hbm4b:s11+s3], $0x80, v2, vm0, $0xb8;
	[tilespmem:$0x1C400] =	vst v63  }
0xa0: {  	v2 =	vld.msk [tilespmem:$0x30], $0xff;
	_ =	sdelay $0x4  }
0xa1: {  	v3 =	vshll.u32 v2, $0x4  }
0xa2: {  	v2 =	vand.u32 $0x7, v2;
	v3 =	vand.u32 $0xFFFFFF80, v3  }
0xa3: {  	v2 =	vor.u32 v2, v3  }
0xa4: {  	v2 =	vperm.xlane v2, v0;
	_ =	sdelay $0x1  }
0xa5: {  	v2 =	vadd.s32 v1, v2;
	_ =	sdelay $0x4  }
0xa6: {  	[tilespmem:s29], [sflag:$0x7] =	stream.indirect_vreg.gather [hbm4b:s2+s3], $0x80, v2, vm0, $0xb8;
	[tilespmem:$0x1C400] =	vst v63  }
0xa7: {  	_ = 	snop  }
0xa8: {  	[tilespmem:s16], [sflag:$0x7] =	stream.indirect_vreg.gather [hbm4b:s5+s3], $0x80, v2, vm0, $0xb8;
	[tilespmem:$0x1C400] =	vst v63  }
0xa9: {  	s19 =	simm.s32 $0x19400  }
0xaa: {  	[tilespmem:s19], [sflag:$0x7] =	stream.indirect_vreg.gather [hbm4b:s6+s3], $0x80, v2, vm0, $0xb8;
	[tilespmem:$0x1C400] =	vst v63  }
0xab: {  	s23 =	simm.s32 $0x19C00  }
0xac: {  	[tilespmem:s23], [sflag:$0x7] =	stream.indirect_vreg.gather [hbm4b:s7+s3], $0x80, v2, vm0, $0xb8;
	[tilespmem:$0x1C400] =	vst v63  }
0xad: {  	s26 =	simm.s32 $0x1A400  }
0xae: {  	[tilespmem:s26], [sflag:$0x7] =	stream.indirect_vreg.gather [hbm4b:s8+s3], $0x80, v2, vm0, $0xb8;
	[tilespmem:$0x1C400] =	vst v63  }
0xaf: {  	s29 =	simm.s32 $0x1AC00  }
0xb0: {  	[tilespmem:s29], [sflag:$0x7] =	stream.indirect_vreg.gather [hbm4b:s9+s3], $0x80, v2, vm0, $0xb8;
	[tilespmem:$0x1C400] =	vst v63  }
0xb1: {  	s30 =	simm.s32 $0x1B400;
	s31 =	simm.s32 $0x1BC00;
	s1 =	simm.s32 $0x1  }
0xb2: {  	[tilespmem:s30], [sflag:$0x7] =	stream.indirect_vreg.gather [hbm4b:s10+s3], $0x80, v2, vm0, $0xb8;
	[tilespmem:$0x1C400] =	vst v63  }
0xb3: {  	s4 =	simm.s32 $0x7;
	s12 =	simm.s32 $0x68;
	s23 =	simm.s32 $0x0  }
0xb4: {  	[tilespmem:s31], [sflag:$0x7] =	stream.indirect_vreg.gather [hbm4b:s11+s3], $0x80, v2, vm0, $0xb8;
	[tilespmem:$0x1C400] =	vst v63  }
.LBB2_2:
0xb5: {  	_ =	swait.ge [sflag:s1], $0x4000  }
0xb6: {  	s17 =	rddreg [dreg:$0x4];
	[sflag:s1] =	ssyncset.done $0x0  }
0xb7: {  	s26 =	simm.s32 $0x400;
	[sflag:s1] =	ssyncadd.s32 $0xFFFFC000;
	s17 =	sadd.s32 s23, s17  }
0xb8: {  	[hbm4b:s17+s3] =	stream.linear.scatter [tilespmem:s26], [sflag:$0x8], $0x4000, $0x38;
	[tilespmem:$0x1C400] =	vst v63  }
0xb9: {  	_ =	swait.ge [sflag:s25], $0x4000  }
0xba: {  	[sflag:s25] =	ssyncset.done $0x0  }
0xbb: {  	s31 =	simm.s32 $0x4400;
	s0 =	sadd.s32 $0x800, s17;
	[sflag:s25] =	ssyncadd.s32 $0xFFFFC000  }
0xbc: {  	[hbm4b:s0+s3] =	stream.linear.scatter [tilespmem:s31], [sflag:$0x9], $0x4000, $0x38;
	[tilespmem:$0x1C400] =	vst v63  }
0xbd: {  	_ =	swait.ge [sflag:s22], $0x4000  }
0xbe: {  	[sflag:s22] =	ssyncset.done $0x0  }
0xbf: {  	s13 =	simm.s32 $0x8400;
	s19 =	sadd.s32 $0x1000, s17;
	[sflag:s22] =	ssyncadd.s32 $0xFFFFC000  }
0xc0: {  	[hbm4b:s19+s3] =	stream.linear.scatter [tilespmem:s13], [sflag:$0xA], $0x4000, $0x38;
	[tilespmem:$0x1C400] =	vst v63  }
0xc1: {  	_ =	swait.ge [sflag:s24], $0x4000  }
0xc2: {  	[sflag:s24] =	ssyncset.done $0x0  }
0xc3: {  	s30 =	simm.s32 $0xC400;
	s14 =	sadd.s32 $0x1800, s17;
	[sflag:s24] =	ssyncadd.s32 $0xFFFFC000  }
0xc4: {  	[hbm4b:s14+s3] =	stream.linear.scatter [tilespmem:s30], [sflag:$0xB], $0x4000, $0x38;
	[tilespmem:$0x1C400] =	vst v63  }
0xc5: {  	_ =	swait.ge [sflag:s18], $0x4000  }
0xc6: {  	[sflag:s18] =	ssyncset.done $0x0  }
0xc7: {  	s15 =	sadd.s32 $0x2000, s17;
	s14 =	simm.s32 $0x10400;
	[sflag:s18] =	ssyncadd.s32 $0xFFFFC000  }
0xc8: {  	[hbm4b:s15+s3] =	stream.linear.scatter [tilespmem:s14], [sflag:$0xC], $0x4000, $0x38;
	[tilespmem:$0x1C400] =	vst v63  }
0xc9: {  	_ =	swait.ge [sflag:s28], $0x4000  }
0xca: {  	[sflag:s28] =	ssyncset.done $0x0  }
0xcb: {  	s16 =	sadd.s32 $0x2800, s17;
	s15 =	simm.s32 $0x14400;
	[sflag:s28] =	ssyncadd.s32 $0xFFFFC000  }
0xcc: {  	[hbm4b:s16+s3] =	stream.linear.scatter [tilespmem:s15], [sflag:$0xD], $0x4000, $0x38;
	[tilespmem:$0x1C400] =	vst v63  }
0xcd: {  	_ =	swait.ge [sflag:s4], $0x4000  }
0xce: {  	[sflag:s4] =	ssyncset.done $0x0  }
0xcf: {  	s17 =	sadd.s32 $0x3000, s17;
	s16 =	simm.s32 $0x18400;
	[sflag:s4] =	ssyncadd.s32 $0xFFFFC000  }
0xd0: {  	[hbm4b:s17+s3] =	stream.linear.scatter [tilespmem:s16], [sflag:$0xE], $0x4000, $0x38;
	[tilespmem:$0x1C400] =	vst v63  }
0xd1: {  	_ =	swait.ge [sflag:s21], $0x4000  }
0xd2: {  	[sflag:s21] =	ssyncset.done $0x0  }
0xd3: {  	[sflag:s21] =	ssyncadd.s32 $0xFFFFC000  }
0xd4: {  	v2 =	vld.msk [tilespmem:s12+$0xFFFFFFD0], $0xff;
	_ =	sdelay $0x4  }
0xd5: {  	v3 =	vshll.u32 v2, $0x4  }
0xd6: {  	v2 =	vand.u32 $0x7, v2;
	v3 =	vand.u32 $0xFFFFFF80, v3  }
0xd7: {  	v2 =	vor.u32 v2, v3  }
0xd8: {  	v2 =	vperm.xlane v2, v0;
	_ =	sdelay $0x1  }
0xd9: {  	v2 =	vadd.s32 v1, v2;
	_ =	sdelay $0x4  }
0xda: {  	[tilespmem:s26], [sflag:$0x1] =	stream.indirect_vreg.gather [hbm4b:s2+s3], $0x80, v2, vm0, $0xb8;
	[tilespmem:$0x1C400] =	vst v63  }
0xdb: {  	s19 =	simm.s32 $0xC00  }
0xdc: {  	[tilespmem:s19], [sflag:$0x1] =	stream.indirect_vreg.gather [hbm4b:s5+s3], $0x80, v2, vm0, $0xb8;
	[tilespmem:$0x1C400] =	vst v63  }
0xdd: {  	s26 =	simm.s32 $0x1400  }
0xde: {  	[tilespmem:s26], [sflag:$0x1] =	stream.indirect_vreg.gather [hbm4b:s6+s3], $0x80, v2, vm0, $0xb8;
	[tilespmem:$0x1C400] =	vst v63  }
0xdf: {  	s17 =	simm.s32 $0x1C00  }
0xe0: {  	[tilespmem:s17], [sflag:$0x1] =	stream.indirect_vreg.gather [hbm4b:s7+s3], $0x80, v2, vm0, $0xb8;
	[tilespmem:$0x1C400] =	vst v63  }
0xe1: {  	s19 =	simm.s32 $0x2400  }
0xe2: {  	[tilespmem:s19], [sflag:$0x1] =	stream.indirect_vreg.gather [hbm4b:s8+s3], $0x80, v2, vm0, $0xb8;
	[tilespmem:$0x1C400] =	vst v63  }
0xe3: {  	s26 =	simm.s32 $0x2C00  }
0xe4: {  	[tilespmem:s26], [sflag:$0x1] =	stream.indirect_vreg.gather [hbm4b:s9+s3], $0x80, v2, vm0, $0xb8;
	[tilespmem:$0x1C400] =	vst v63  }
0xe5: {  	s17 =	simm.s32 $0x3400  }
0xe6: {  	[tilespmem:s17], [sflag:$0x1] =	stream.indirect_vreg.gather [hbm4b:s10+s3], $0x80, v2, vm0, $0xb8;
	[tilespmem:$0x1C400] =	vst v63  }
0xe7: {  	s19 =	simm.s32 $0x3C00  }
0xe8: {  	[tilespmem:s19], [sflag:$0x1] =	stream.indirect_vreg.gather [hbm4b:s11+s3], $0x80, v2, vm0, $0xb8;
	[tilespmem:$0x1C400] =	vst v63  }
0xe9: {  	_ =	swait.ge [sflag:s20], $0x4000  }
0xea: {  	[sflag:s20] =	ssyncset.done $0x0  }
0xeb: {  	[sflag:s20] =	ssyncadd.s32 $0xFFFFC000  }
0xec: {  	v2 =	vld.msk [tilespmem:s12+$0xFFFFFFD8], $0xff;
	_ =	sdelay $0x4  }
0xed: {  	v3 =	vshll.u32 v2, $0x4  }
0xee: {  	v2 =	vand.u32 $0x7, v2;
	v3 =	vand.u32 $0xFFFFFF80, v3  }
0xef: {  	v2 =	vor.u32 v2, v3  }
0xf0: {  	v2 =	vperm.xlane v2, v0;
	_ =	sdelay $0x1  }
0xf1: {  	v2 =	vadd.s32 v1, v2;
	_ =	sdelay $0x4  }
0xf2: {  	[tilespmem:s31], [sflag:$0x2] =	stream.indirect_vreg.gather [hbm4b:s2+s3], $0x80, v2, vm0, $0xb8;
	[tilespmem:$0x1C400] =	vst v63  }
0xf3: {  	s26 =	simm.s32 $0x4C00  }
0xf4: {  	[tilespmem:s26], [sflag:$0x2] =	stream.indirect_vreg.gather [hbm4b:s5+s3], $0x80, v2, vm0, $0xb8;
	[tilespmem:$0x1C400] =	vst v63  }
0xf5: {  	s17 =	simm.s32 $0x5400  }
0xf6: {  	[tilespmem:s17], [sflag:$0x2] =	stream.indirect_vreg.gather [hbm4b:s6+s3], $0x80, v2, vm0, $0xb8;
	[tilespmem:$0x1C400] =	vst v63  }
0xf7: {  	s19 =	simm.s32 $0x5C00  }
0xf8: {  	[tilespmem:s19], [sflag:$0x2] =	stream.indirect_vreg.gather [hbm4b:s7+s3], $0x80, v2, vm0, $0xb8;
	[tilespmem:$0x1C400] =	vst v63  }
0xf9: {  	s26 =	simm.s32 $0x6400  }
0xfa: {  	[tilespmem:s26], [sflag:$0x2] =	stream.indirect_vreg.gather [hbm4b:s8+s3], $0x80, v2, vm0, $0xb8;
	[tilespmem:$0x1C400] =	vst v63  }
0xfb: {  	s17 =	simm.s32 $0x6C00  }
0xfc: {  	[tilespmem:s17], [sflag:$0x2] =	stream.indirect_vreg.gather [hbm4b:s9+s3], $0x80, v2, vm0, $0xb8;
	[tilespmem:$0x1C400] =	vst v63  }
0xfd: {  	s19 =	simm.s32 $0x7400  }
0xfe: {  	[tilespmem:s19], [sflag:$0x2] =	stream.indirect_vreg.gather [hbm4b:s10+s3], $0x80, v2, vm0, $0xb8;
	[tilespmem:$0x1C400] =	vst v63  }
0xff: {  	s26 =	simm.s32 $0x7C00;
	s17 =	simm.s32 $0xA  }
0x100: {  	[tilespmem:s26], [sflag:$0x2] =	stream.indirect_vreg.gather [hbm4b:s11+s3], $0x80, v2, vm0, $0xb8;
	[tilespmem:$0x1C400] =	vst v63  }
0x101: {  	_ =	swait.ge [sflag:s17], $0x4000  }
0x102: {  	[sflag:s17] =	ssyncset.done $0x0  }
0x103: {  	[sflag:s17] =	ssyncadd.s32 $0xFFFFC000  }
0x104: {  	v2 =	vld.msk [tilespmem:s12+$0xFFFFFFE0], $0xff;
	_ =	sdelay $0x4  }
0x105: {  	v3 =	vshll.u32 v2, $0x4  }
0x106: {  	v2 =	vand.u32 $0x7, v2;
	v3 =	vand.u32 $0xFFFFFF80, v3  }
0x107: {  	v2 =	vor.u32 v2, v3  }
0x108: {  	v2 =	vperm.xlane v2, v0;
	_ =	sdelay $0x1  }
0x109: {  	v2 =	vadd.s32 v1, v2;
	_ =	sdelay $0x4  }
0x10a: {  	[tilespmem:s13], [sflag:$0x3] =	stream.indirect_vreg.gather [hbm4b:s2+s3], $0x80, v2, vm0, $0xb8;
	[tilespmem:$0x1C400] =	vst v63  }
0x10b: {  	s13 =	simm.s32 $0x8C00  }
0x10c: {  	[tilespmem:s13], [sflag:$0x3] =	stream.indirect_vreg.gather [hbm4b:s5+s3], $0x80, v2, vm0, $0xb8;
	[tilespmem:$0x1C400] =	vst v63  }
0x10d: {  	s31 =	simm.s32 $0x9400  }
0x10e: {  	[tilespmem:s31], [sflag:$0x3] =	stream.indirect_vreg.gather [hbm4b:s6+s3], $0x80, v2, vm0, $0xb8;
	[tilespmem:$0x1C400] =	vst v63  }
0x10f: {  	s19 =	simm.s32 $0x9C00  }
0x110: {  	[tilespmem:s19], [sflag:$0x3] =	stream.indirect_vreg.gather [hbm4b:s7+s3], $0x80, v2, vm0, $0xb8;
	[tilespmem:$0x1C400] =	vst v63  }
0x111: {  	s17 =	simm.s32 $0xA400  }
0x112: {  	[tilespmem:s17], [sflag:$0x3] =	stream.indirect_vreg.gather [hbm4b:s8+s3], $0x80, v2, vm0, $0xb8;
	[tilespmem:$0x1C400] =	vst v63  }
0x113: {  	s19 =	simm.s32 $0xAC00  }
0x114: {  	[tilespmem:s19], [sflag:$0x3] =	stream.indirect_vreg.gather [hbm4b:s9+s3], $0x80, v2, vm0, $0xb8;
	[tilespmem:$0x1C400] =	vst v63  }
0x115: {  	s17 =	simm.s32 $0xB400  }
0x116: {  	[tilespmem:s17], [sflag:$0x3] =	stream.indirect_vreg.gather [hbm4b:s10+s3], $0x80, v2, vm0, $0xb8;
	[tilespmem:$0x1C400] =	vst v63  }
0x117: {  	s19 =	simm.s32 $0xBC00;
	s17 =	simm.s32 $0xB  }
0x118: {  	[tilespmem:s19], [sflag:$0x3] =	stream.indirect_vreg.gather [hbm4b:s11+s3], $0x80, v2, vm0, $0xb8;
	[tilespmem:$0x1C400] =	vst v63  }
0x119: {  	_ =	swait.ge [sflag:s17], $0x4000  }
0x11a: {  	[sflag:s17] =	ssyncset.done $0x0  }
0x11b: {  	[sflag:s17] =	ssyncadd.s32 $0xFFFFC000  }
0x11c: {  	v2 =	vld.msk [tilespmem:s12+$0xFFFFFFE8], $0xff;
	_ =	sdelay $0x4  }
0x11d: {  	v3 =	vshll.u32 v2, $0x4  }
0x11e: {  	v2 =	vand.u32 $0x7, v2;
	v3 =	vand.u32 $0xFFFFFF80, v3  }
0x11f: {  	v2 =	vor.u32 v2, v3  }
0x120: {  	v2 =	vperm.xlane v2, v0;
	_ =	sdelay $0x1  }
0x121: {  	v2 =	vadd.s32 v1, v2;
	_ =	sdelay $0x4  }
0x122: {  	[tilespmem:s30], [sflag:$0x4] =	stream.indirect_vreg.gather [hbm4b:s2+s3], $0x80, v2, vm0, $0xb8;
	[tilespmem:$0x1C400] =	vst v63  }
0x123: {  	s19 =	simm.s32 $0xCC00  }
0x124: {  	[tilespmem:s19], [sflag:$0x4] =	stream.indirect_vreg.gather [hbm4b:s5+s3], $0x80, v2, vm0, $0xb8;
	[tilespmem:$0x1C400] =	vst v63  }
0x125: {  	s19 =	simm.s32 $0xD400  }
0x126: {  	[tilespmem:s19], [sflag:$0x4] =	stream.indirect_vreg.gather [hbm4b:s6+s3], $0x80, v2, vm0, $0xb8;
	[tilespmem:$0x1C400] =	vst v63  }
0x127: {  	s19 =	simm.s32 $0xDC00  }
0x128: {  	[tilespmem:s19], [sflag:$0x4] =	stream.indirect_vreg.gather [hbm4b:s7+s3], $0x80, v2, vm0, $0xb8;
	[tilespmem:$0x1C400] =	vst v63  }
0x129: {  	s19 =	simm.s32 $0xE400  }
0x12a: {  	[tilespmem:s19], [sflag:$0x4] =	stream.indirect_vreg.gather [hbm4b:s8+s3], $0x80, v2, vm0, $0xb8;
	[tilespmem:$0x1C400] =	vst v63  }
0x12b: {  	s19 =	simm.s32 $0xEC00  }
0x12c: {  	[tilespmem:s19], [sflag:$0x4] =	stream.indirect_vreg.gather [hbm4b:s9+s3], $0x80, v2, vm0, $0xb8;
	[tilespmem:$0x1C400] =	vst v63  }
0x12d: {  	s19 =	simm.s32 $0xF400  }
0x12e: {  	[tilespmem:s19], [sflag:$0x4] =	stream.indirect_vreg.gather [hbm4b:s10+s3], $0x80, v2, vm0, $0xb8;
	[tilespmem:$0x1C400] =	vst v63  }
0x12f: {  	s19 =	simm.s32 $0xFC00  }
0x130: {  	[tilespmem:s19], [sflag:$0x4] =	stream.indirect_vreg.gather [hbm4b:s11+s3], $0x80, v2, vm0, $0xb8;
	[tilespmem:$0x1C400] =	vst v63  }
0x131: {  	s19 =	simm.s32 $0xC  }
0x132: {  	_ =	swait.ge [sflag:s19], $0x4000  }
0x133: {  	[sflag:s19] =	ssyncset.done $0x0  }
0x134: {  	[sflag:s19] =	ssyncadd.s32 $0xFFFFC000  }
0x135: {  	v2 =	vld.msk [tilespmem:s12+$0xFFFFFFF0], $0xff;
	_ =	sdelay $0x4  }
0x136: {  	v3 =	vshll.u32 v2, $0x4  }
0x137: {  	v2 =	vand.u32 $0x7, v2;
	v3 =	vand.u32 $0xFFFFFF80, v3  }
0x138: {  	v2 =	vor.u32 v2, v3  }
0x139: {  	v2 =	vperm.xlane v2, v0;
	_ =	sdelay $0x1  }
0x13a: {  	v2 =	vadd.s32 v1, v2;
	_ =	sdelay $0x4  }
0x13b: {  	[tilespmem:s14], [sflag:$0x5] =	stream.indirect_vreg.gather [hbm4b:s2+s3], $0x80, v2, vm0, $0xb8;
	[tilespmem:$0x1C400] =	vst v63  }
0x13c: {  	s14 =	simm.s32 $0x10C00  }
0x13d: {  	[tilespmem:s14], [sflag:$0x5] =	stream.indirect_vreg.gather [hbm4b:s5+s3], $0x80, v2, vm0, $0xb8;
	[tilespmem:$0x1C400] =	vst v63  }
0x13e: {  	s19 =	simm.s32 $0x11400  }
0x13f: {  	[tilespmem:s19], [sflag:$0x5] =	stream.indirect_vreg.gather [hbm4b:s6+s3], $0x80, v2, vm0, $0xb8;
	[tilespmem:$0x1C400] =	vst v63  }
0x140: {  	s19 =	simm.s32 $0x11C00  }
0x141: {  	[tilespmem:s19], [sflag:$0x5] =	stream.indirect_vreg.gather [hbm4b:s7+s3], $0x80, v2, vm0, $0xb8;
	[tilespmem:$0x1C400] =	vst v63  }
0x142: {  	s19 =	simm.s32 $0x12400  }
0x143: {  	[tilespmem:s19], [sflag:$0x5] =	stream.indirect_vreg.gather [hbm4b:s8+s3], $0x80, v2, vm0, $0xb8;
	[tilespmem:$0x1C400] =	vst v63  }
0x144: {  	s19 =	simm.s32 $0x12C00  }
0x145: {  	[tilespmem:s19], [sflag:$0x5] =	stream.indirect_vreg.gather [hbm4b:s9+s3], $0x80, v2, vm0, $0xb8;
	[tilespmem:$0x1C400] =	vst v63  }
0x146: {  	s19 =	simm.s32 $0x13400  }
0x147: {  	[tilespmem:s19], [sflag:$0x5] =	stream.indirect_vreg.gather [hbm4b:s10+s3], $0x80, v2, vm0, $0xb8;
	[tilespmem:$0x1C400] =	vst v63  }
0x148: {  	s19 =	simm.s32 $0x13C00  }
0x149: {  	[tilespmem:s19], [sflag:$0x5] =	stream.indirect_vreg.gather [hbm4b:s11+s3], $0x80, v2, vm0, $0xb8;
	[tilespmem:$0x1C400] =	vst v63  }
0x14a: {  	s19 =	simm.s32 $0xD  }
0x14b: {  	_ =	swait.ge [sflag:s19], $0x4000  }
0x14c: {  	[sflag:s19] =	ssyncset.done $0x0  }
0x14d: {  	[sflag:s19] =	ssyncadd.s32 $0xFFFFC000  }
0x14e: {  	v2 =	vld.msk [tilespmem:s12+$0xFFFFFFF8], $0xff;
	_ =	sdelay $0x4  }
0x14f: {  	v3 =	vshll.u32 v2, $0x4  }
0x150: {  	v2 =	vand.u32 $0x7, v2;
	v3 =	vand.u32 $0xFFFFFF80, v3  }
0x151: {  	v2 =	vor.u32 v2, v3  }
0x152: {  	v2 =	vperm.xlane v2, v0;
	_ =	sdelay $0x1  }
0x153: {  	v2 =	vadd.s32 v1, v2;
	_ =	sdelay $0x4  }
0x154: {  	[tilespmem:s15], [sflag:$0x6] =	stream.indirect_vreg.gather [hbm4b:s2+s3], $0x80, v2, vm0, $0xb8;
	[tilespmem:$0x1C400] =	vst v63  }
0x155: {  	s15 =	simm.s32 $0x14C00  }
0x156: {  	[tilespmem:s15], [sflag:$0x6] =	stream.indirect_vreg.gather [hbm4b:s5+s3], $0x80, v2, vm0, $0xb8;
	[tilespmem:$0x1C400] =	vst v63  }
0x157: {  	s0 =	simm.s32 $0x15400  }
0x158: {  	[tilespmem:s0], [sflag:$0x6] =	stream.indirect_vreg.gather [hbm4b:s6+s3], $0x80, v2, vm0, $0xb8;
	[tilespmem:$0x1C400] =	vst v63  }
0x159: {  	s0 =	simm.s32 $0x15C00  }
0x15a: {  	[tilespmem:s0], [sflag:$0x6] =	stream.indirect_vreg.gather [hbm4b:s7+s3], $0x80, v2, vm0, $0xb8;
	[tilespmem:$0x1C400] =	vst v63  }
0x15b: {  	s0 =	simm.s32 $0x16400  }
0x15c: {  	[tilespmem:s0], [sflag:$0x6] =	stream.indirect_vreg.gather [hbm4b:s8+s3], $0x80, v2, vm0, $0xb8;
	[tilespmem:$0x1C400] =	vst v63  }
0x15d: {  	s0 =	simm.s32 $0x16C00  }
0x15e: {  	[tilespmem:s0], [sflag:$0x6] =	stream.indirect_vreg.gather [hbm4b:s9+s3], $0x80, v2, vm0, $0xb8;
	[tilespmem:$0x1C400] =	vst v63  }
0x15f: {  	s0 =	simm.s32 $0x17400  }
0x160: {  	[tilespmem:s0], [sflag:$0x6] =	stream.indirect_vreg.gather [hbm4b:s10+s3], $0x80, v2, vm0, $0xb8;
	[tilespmem:$0x1C400] =	vst v63  }
0x161: {  	s0 =	simm.s32 $0x17C00  }
0x162: {  	[tilespmem:s0], [sflag:$0x6] =	stream.indirect_vreg.gather [hbm4b:s11+s3], $0x80, v2, vm0, $0xb8;
	[tilespmem:$0x1C400] =	vst v63  }
0x163: {  	s0 =	simm.s32 $0xE  }
0x164: {  	_ =	swait.ge [sflag:s0], $0x4000  }
0x165: {  	[sflag:s0] =	ssyncset.done $0x0  }
0x166: {  	[sflag:s0] =	ssyncadd.s32 $0xFFFFC000  }
0x167: {  	v2 =	vld.msk [tilespmem:s12+$0x0], $0xff;
	_ =	sdelay $0x4  }
0x168: {  	v3 =	vshll.u32 v2, $0x4  }
0x169: {  	v2 =	vand.u32 $0x7, v2;
	v3 =	vand.u32 $0xFFFFFF80, v3  }
0x16a: {  	v2 =	vor.u32 v2, v3  }
0x16b: {  	v2 =	vperm.xlane v2, v0;
	_ =	sdelay $0x1  }
0x16c: {  	v2 =	vadd.s32 v1, v2;
	_ =	sdelay $0x4  }
0x16d: {  	[tilespmem:s16], [sflag:$0x7] =	stream.indirect_vreg.gather [hbm4b:s2+s3], $0x80, v2, vm0, $0xb8;
	[tilespmem:$0x1C400] =	vst v63  }
0x16e: {  	s16 =	simm.s32 $0x18C00  }
0x16f: {  	[tilespmem:s16], [sflag:$0x7] =	stream.indirect_vreg.gather [hbm4b:s5+s3], $0x80, v2, vm0, $0xb8;
	[tilespmem:$0x1C400] =	vst v63  }
0x170: {  	s0 =	simm.s32 $0x19400  }
0x171: {  	[tilespmem:s0], [sflag:$0x7] =	stream.indirect_vreg.gather [hbm4b:s6+s3], $0x80, v2, vm0, $0xb8;
	[tilespmem:$0x1C400] =	vst v63  }
0x172: {  	s0 =	simm.s32 $0x19C00  }
0x173: {  	[tilespmem:s0], [sflag:$0x7] =	stream.indirect_vreg.gather [hbm4b:s7+s3], $0x80, v2, vm0, $0xb8;
	[tilespmem:$0x1C400] =	vst v63  }
0x174: {  	s0 =	simm.s32 $0x1A400  }
0x175: {  	[tilespmem:s0], [sflag:$0x7] =	stream.indirect_vreg.gather [hbm4b:s8+s3], $0x80, v2, vm0, $0xb8;
	[tilespmem:$0x1C400] =	vst v63  }
0x176: {  	s29 =	simm.s32 $0x18400;
	p0 =	sne.s32 s23, $0x38000;
	s0 =	simm.s32 $0x1AC00  }
0x177: {  	[tilespmem:s0], [sflag:$0x7] =	stream.indirect_vreg.gather [hbm4b:s9+s3], $0x80, v2, vm0, $0xb8;
	[tilespmem:$0x1C400] =	vst v63  }
.Ltmp0:
0x178: {  	s23 =	sadd.s32 $0x3800, s23;
	s26 =	simm.s32 $0x8400;
	(pc) =	sbr.rel @p0 .LBB2_2-.Ltmp0, $4  }
0x179: {  	s17 =	simm.s32 $0xC400;
	s30 =	simm.s32 $0x10400;
	s0 =	simm.s32 $0x1B400  }
0x17a: {  	[tilespmem:s0], [sflag:$0x7] =	stream.indirect_vreg.gather [hbm4b:s10+s3], $0x80, v2, vm0, $0xb8;
	[tilespmem:$0x1C400] =	vst v63  }
0x17b: {  	s19 =	simm.s32 $0x14400;
	s12 =	sadd.s32 $0x38, s12;
	s0 =	simm.s32 $0x1BC00  }
0x17c: {  	[tilespmem:s0], [sflag:$0x7] =	stream.indirect_vreg.gather [hbm4b:s11+s3], $0x80, v2, vm0, $0xb8;
	[tilespmem:$0x1C400] =	vst v63  }
0x17d: {  	_ =	swait.ge [sflag:s1], $0x4000  }
0x17e: {  	[sflag:s1] =	ssyncset.done $0x0  }
0x17f: {  	s12 =	simm.s32 $0x400;
	s0 =	rddreg [dreg:$0x6];
	[sflag:s1] =	ssyncadd.s32 $0xFFFFC000  }
0x180: {  	[hbm4b:s0+s3] =	stream.linear.scatter [tilespmem:s12], [sflag:$0x8], $0x4000, $0x38;
	[tilespmem:$0x1C400] =	vst v63  }
0x181: {  	_ =	swait.ge [sflag:s25], $0x4000  }
0x182: {  	[sflag:s25] =	ssyncset.done $0x0  }
0x183: {  	s23 =	simm.s32 $0x4400;
	s0 =	rddreg [dreg:$0x7];
	[sflag:s25] =	ssyncadd.s32 $0xFFFFC000  }
0x184: {  	[hbm4b:s0+s3] =	stream.linear.scatter [tilespmem:s23], [sflag:$0x9], $0x4000, $0x38;
	[tilespmem:$0x1C400] =	vst v63  }
0x185: {  	_ =	swait.ge [sflag:s22], $0x4000  }
0x186: {  	[sflag:s22] =	ssyncset.done $0x0  }
0x187: {  	s0 =	rddreg [dreg:$0x8];
	[sflag:s22] =	ssyncadd.s32 $0xFFFFC000  }
0x188: {  	[hbm4b:s0+s3] =	stream.linear.scatter [tilespmem:s26], [sflag:$0xA], $0x4000, $0x38;
	[tilespmem:$0x1C400] =	vst v63  }
0x189: {  	_ =	swait.ge [sflag:s24], $0x4000  }
0x18a: {  	[sflag:s24] =	ssyncset.done $0x0  }
0x18b: {  	s0 =	rddreg [dreg:$0x9];
	[sflag:s24] =	ssyncadd.s32 $0xFFFFC000  }
0x18c: {  	[hbm4b:s0+s3] =	stream.linear.scatter [tilespmem:s17], [sflag:$0xB], $0x4000, $0x38;
	[tilespmem:$0x1C400] =	vst v63  }
0x18d: {  	_ =	swait.ge [sflag:s18], $0x4000  }
0x18e: {  	[sflag:s18] =	ssyncset.done $0x0  }
0x18f: {  	s0 =	rddreg [dreg:$0xa];
	[sflag:s18] =	ssyncadd.s32 $0xFFFFC000  }
0x190: {  	[hbm4b:s0+s3] =	stream.linear.scatter [tilespmem:s30], [sflag:$0xC], $0x4000, $0x38;
	[tilespmem:$0x1C400] =	vst v63  }
0x191: {  	_ =	swait.ge [sflag:s28], $0x4000  }
0x192: {  	[sflag:s28] =	ssyncset.done $0x0  }
0x193: {  	s0 =	rddreg [dreg:$0xb];
	[sflag:s28] =	ssyncadd.s32 $0xFFFFC000  }
0x194: {  	[hbm4b:s0+s3] =	stream.linear.scatter [tilespmem:s19], [sflag:$0xD], $0x4000, $0x38;
	[tilespmem:$0x1C400] =	vst v63  }
0x195: {  	_ =	swait.ge [sflag:s4], $0x4000  }
0x196: {  	[sflag:s4] =	ssyncset.done $0x0  }
0x197: {  	[sflag:s4] =	ssyncadd.s32 $0xFFFFC000;
	s4 =	rddreg [dreg:$0xc]  }
0x198: {  	[hbm4b:s4+s3] =	stream.linear.scatter [tilespmem:s29], [sflag:$0xE], $0x4000, $0x38;
	[tilespmem:$0x1C400] =	vst v63  }
0x199: {  	_ =	swait.ge [sflag:s21], $0x4000  }
0x19a: {  	[sflag:s21] =	ssyncset.done $0x0  }
0x19b: {  	[sflag:s21] =	ssyncadd.s32 $0xFFFFC000  }
0x19c: {  	v2 =	vld.msk [tilespmem:$0x3F0], $0xff;
	_ =	sdelay $0x4  }
0x19d: {  	v3 =	vshll.u32 v2, $0x4  }
0x19e: {  	v2 =	vand.u32 $0x7, v2;
	v3 =	vand.u32 $0xFFFFFF80, v3  }
0x19f: {  	v2 =	vor.u32 v2, v3  }
0x1a0: {  	v2 =	vperm.xlane v2, v0;
	_ =	sdelay $0x1  }
0x1a1: {  	v2 =	vadd.s32 v1, v2;
	_ =	sdelay $0x4  }
0x1a2: {  	[tilespmem:s12], [sflag:$0x1] =	stream.indirect_vreg.gather [hbm4b:s2+s3], $0x80, v2, vm0, $0xb8;
	[tilespmem:$0x1C400] =	vst v63  }
0x1a3: {  	s4 =	simm.s32 $0xC00  }
0x1a4: {  	[tilespmem:s4], [sflag:$0x1] =	stream.indirect_vreg.gather [hbm4b:s5+s3], $0x80, v2, vm0, $0xb8;
	[tilespmem:$0x1C400] =	vst v63  }
0x1a5: {  	s4 =	simm.s32 $0x1400  }
0x1a6: {  	[tilespmem:s4], [sflag:$0x1] =	stream.indirect_vreg.gather [hbm4b:s6+s3], $0x80, v2, vm0, $0xb8;
	[tilespmem:$0x1C400] =	vst v63  }
0x1a7: {  	s4 =	simm.s32 $0x1C00  }
0x1a8: {  	[tilespmem:s4], [sflag:$0x1] =	stream.indirect_vreg.gather [hbm4b:s7+s3], $0x80, v2, vm0, $0xb8;
	[tilespmem:$0x1C400] =	vst v63  }
0x1a9: {  	s4 =	simm.s32 $0x2400  }
0x1aa: {  	[tilespmem:s4], [sflag:$0x1] =	stream.indirect_vreg.gather [hbm4b:s8+s3], $0x80, v2, vm0, $0xb8;
	[tilespmem:$0x1C400] =	vst v63  }
0x1ab: {  	s4 =	simm.s32 $0x2C00  }
0x1ac: {  	[tilespmem:s4], [sflag:$0x1] =	stream.indirect_vreg.gather [hbm4b:s9+s3], $0x80, v2, vm0, $0xb8;
	[tilespmem:$0x1C400] =	vst v63  }
0x1ad: {  	s4 =	simm.s32 $0x3400  }
0x1ae: {  	[tilespmem:s4], [sflag:$0x1] =	stream.indirect_vreg.gather [hbm4b:s10+s3], $0x80, v2, vm0, $0xb8;
	[tilespmem:$0x1C400] =	vst v63  }
0x1af: {  	s4 =	simm.s32 $0x3C00  }
0x1b0: {  	[tilespmem:s4], [sflag:$0x1] =	stream.indirect_vreg.gather [hbm4b:s11+s3], $0x80, v2, vm0, $0xb8;
	[tilespmem:$0x1C400] =	vst v63  }
0x1b1: {  	_ =	swait.ge [sflag:s20], $0x4000  }
0x1b2: {  	[sflag:s20] =	ssyncset.done $0x0  }
0x1b3: {  	[sflag:s20] =	ssyncadd.s32 $0xFFFFC000  }
0x1b4: {  	v2 =	vld.msk [tilespmem:$0x3F8], $0xff;
	_ =	sdelay $0x4  }
0x1b5: {  	v3 =	vshll.u32 v2, $0x4  }
0x1b6: {  	v2 =	vand.u32 $0x7, v2;
	v3 =	vand.u32 $0xFFFFFF80, v3  }
0x1b7: {  	v2 =	vor.u32 v2, v3  }
0x1b8: {  	v2 =	vperm.xlane v2, v0;
	_ =	sdelay $0x1  }
0x1b9: {  	v2 =	vadd.s32 v1, v2;
	_ =	sdelay $0x4  }
0x1ba: {  	[tilespmem:s23], [sflag:$0x2] =	stream.indirect_vreg.gather [hbm4b:s2+s3], $0x80, v2, vm0, $0xb8;
	[tilespmem:$0x1C400] =	vst v63  }
0x1bb: {  	s4 =	simm.s32 $0x4C00  }
0x1bc: {  	[tilespmem:s4], [sflag:$0x2] =	stream.indirect_vreg.gather [hbm4b:s5+s3], $0x80, v2, vm0, $0xb8;
	[tilespmem:$0x1C400] =	vst v63  }
0x1bd: {  	s4 =	simm.s32 $0x5400  }
0x1be: {  	[tilespmem:s4], [sflag:$0x2] =	stream.indirect_vreg.gather [hbm4b:s6+s3], $0x80, v2, vm0, $0xb8;
	[tilespmem:$0x1C400] =	vst v63  }
0x1bf: {  	s4 =	simm.s32 $0x5C00  }
0x1c0: {  	[tilespmem:s4], [sflag:$0x2] =	stream.indirect_vreg.gather [hbm4b:s7+s3], $0x80, v2, vm0, $0xb8;
	[tilespmem:$0x1C400] =	vst v63  }
0x1c1: {  	s4 =	simm.s32 $0x6400  }
0x1c2: {  	[tilespmem:s4], [sflag:$0x2] =	stream.indirect_vreg.gather [hbm4b:s8+s3], $0x80, v2, vm0, $0xb8;
	[tilespmem:$0x1C400] =	vst v63  }
0x1c3: {  	s4 =	simm.s32 $0x6C00  }
0x1c4: {  	[tilespmem:s4], [sflag:$0x2] =	stream.indirect_vreg.gather [hbm4b:s9+s3], $0x80, v2, vm0, $0xb8;
	[tilespmem:$0x1C400] =	vst v63  }
0x1c5: {  	s4 =	simm.s32 $0x7400  }
0x1c6: {  	[tilespmem:s4], [sflag:$0x2] =	stream.indirect_vreg.gather [hbm4b:s10+s3], $0x80, v2, vm0, $0xb8;
	[tilespmem:$0x1C400] =	vst v63  }
0x1c7: {  	s4 =	simm.s32 $0x7C00  }
0x1c8: {  	[tilespmem:s4], [sflag:$0x2] =	stream.indirect_vreg.gather [hbm4b:s11+s3], $0x80, v2, vm0, $0xb8;
	[tilespmem:$0x1C400] =	vst v63  }
0x1c9: {  	_ =	swait.ge [sflag:s1], $0x4000  }
0x1ca: {  	[sflag:s1] =	ssyncset.done $0x0  }
0x1cb: {  	[sflag:s1] =	ssyncadd.s32 $0xFFFFC000;
	s1 =	rddreg [dreg:$0xd]  }
0x1cc: {  	[hbm4b:s1+s3] =	stream.linear.scatter [tilespmem:s12], [sflag:$0x8], $0x4000, $0x38;
	[tilespmem:$0x1C400] =	vst v63  }
0x1cd: {  	_ =	swait.ge [sflag:s25], $0x4000  }
0x1ce: {  	[sflag:s25] =	ssyncset.done $0x0  }
0x1cf: {  	s4 =	rddreg [dreg:$0xe];
	[sflag:s25] =	ssyncadd.s32 $0xFFFFC000  }
0x1d0: {  	[hbm4b:s4+s3] =	stream.linear.scatter [tilespmem:s23], [sflag:$0x9], $0x4000, $0x38;
	[tilespmem:$0x1C400] =	vst v63  }
0x1d1: {  	_ =	swait.ge [sflag:s21], $0x4000  }
0x1d2: {  	[sflag:s21] =	ssyncset.done $0x0  }
0x1d3: {  	[sflag:s21] =	ssyncadd.s32 $0xFFFFC000  }
0x1d4: {  	_ =	swait.ge [sflag:s20], $0x4000  }
0x1d5: {  	[sflag:s20] =	ssyncset.done $0x0  }
0x1d6: {  	s12 =	simm.s32 $0xA;
	[sflag:s20] =	ssyncadd.s32 $0xFFFFC000  }
0x1d7: {  	_ =	swait.ge [sflag:s12], $0x4000  }
0x1d8: {  	[sflag:s12] =	ssyncset.done $0x0  }
0x1d9: {  	s23 =	simm.s32 $0xB;
	[sflag:s12] =	ssyncadd.s32 $0xFFFFC000  }
0x1da: {  	_ =	swait.ge [sflag:s23], $0x4000  }
0x1db: {  	[sflag:s23] =	ssyncset.done $0x0  }
0x1dc: {  	s1 =	simm.s32 $0xC;
	[sflag:s23] =	ssyncadd.s32 $0xFFFFC000  }
0x1dd: {  	_ =	swait.ge [sflag:s1], $0x4000  }
0x1de: {  	[sflag:s1] =	ssyncset.done $0x0  }
0x1df: {  	s4 =	simm.s32 $0xD;
	[sflag:s1] =	ssyncadd.s32 $0xFFFFC000  }
0x1e0: {  	_ =	swait.ge [sflag:s4], $0x4000  }
0x1e1: {  	[sflag:s4] =	ssyncset.done $0x0  }
0x1e2: {  	[sflag:s4] =	ssyncadd.s32 $0xFFFFC000;
	s4 =	simm.s32 $0xE  }
0x1e3: {  	_ =	swait.ge [sflag:s4], $0x4000  }
0x1e4: {  	s12 =	rddreg [dreg:$0x10]  }
0x1e5: {  	s23 =	rddreg [dreg:$0xf];
	s1 =	sadd.s32 $0x1, s12  }
0x1e6: {  	p0 =	sne.s32 s1, s23  }
.Ltmp1:
0x1e7: {  	_ = 	snop;
	(pc) =	sbr.rel @p0 .LBB2_1-.Ltmp1, $3  }
0x1e8: {  	_ =	sdelay $0x1  }
0x1e9: {  	[sflag:s4] =	ssyncset.done $0x0  }
0x1ea: {  	[sflag:s4] =	ssyncadd.s32 $0xFFFFC000;
	s12 =	simm.s32 $0xA400;
	s23 =	simm.s32 $0x9C00  }
0x1eb: {  	_ =	sfence.sel $0x180000  }
0x1ec: {  	[bflag:$0x0] =	sbarrier.arrive $0xFFFF  }
0x1ed: {  	_ =	strace $0x90000047  }
0x1ee: {  	s0 =	stileid.u32;
	[bflag:$0x2] =	sbarrier.arrive $0xFFFF  }
0x1ef: {  	p0 =	sne.s32 s0, $0x0;
	s0 =	rddreg [dreg:$0x3]  }
0x1f0: {  	s0 =	sadd.s32 @!p0 $0x100000, s0  }
0x1f1: {  	[sflag:s0] =	ssyncadd.tile.s32 @!p0 $0x1;
	_ =	shalt  }
.Lfunc_end2:
_tile_overlayer_lowered:
.L_overlay_start_2:
0x1f2: {  	(tag) =	ssettag $0x2  }
0x1f3: {  	s0 =	rddreg [dreg:$0x0];
	s2 =	stileid.u32  }
0x1f4: {  	s1 =	rddreg [dreg:$0x1];
	p0 =	sne.s32 s2, $0x0  }
0x1f5: {  	s3 =	rddreg [dreg:$0x2];
	[bflag:$0x3] =	sbarrier.arrive $0xFFFF;
	s2 =	simm.s32 @!p0 $0x1C0F  }
0x1f6: {  	[timem:s3], [sflag:s2] =	dma.local @!p0 [hbm:s0], s1  }
0x1f7: {  	s0 =	simm.s32 @!p0 $0xF  }
0x1f8: {  	_ =	swait.ge @!p0 [sflag:s0], s1  }
0x1f9: {  	s1 =	ssub.s32 @!p0 $0x0, s1;
	[sflag:s0] =	ssyncset.done @!p0 $0x0  }
0x1fa: {  	[sflag:s0] =	ssyncadd.s32 @!p0 s1  }
0x1fb: {  	[bflag:$0x3] =	sbarrier.arrive $0xFFFF  }
0x1fc: {  	_ =	shalt  }

</sc_bundles>
